<compile_context>
chip_gen: v7x
topology: tpu7x:2x2x1
jax: 0.10.2.dev20260603
libtpu: 0.0.44.dev20260713+nightly
codegen_flags: <defaults>
</compile_context>

<pallas_src>
import functools

import jax
import jax.numpy as jnp
from jax import lax
from jax.experimental import pallas as pl
from jax.experimental.pallas import tpu as pltpu
from jax.experimental.pallas import tpu_sc as plsc

_N = 10000
_E = 320000
_D = 128
_G = 64
_L = 3

_NC = 2
_NS = 16
_NW = _NC * _NS
_NPAD = 10240
_NPT = _NPAD // _NW
_C = 128
_BK = 16
_BIGC = _BK * _C
_EPAD = _E + 2 * _BIGC

_TBLK = 2048


def _mish(v):
    sp = jnp.maximum(v, 0.0) + jnp.log1p(jnp.exp(-jnp.abs(v)))
    return v * jnp.tanh(sp)



def _segmax_body(x_hbm, src_hbm, dstn_hbm, st_hbm, en_hbm, d0_hbm, agg_hbm,
                 st_v, en_v, d0_v, idxb_v, dstnb_v, msg_v, aggl_v, sem):
    cid = lax.axis_index("c")
    sid = lax.axis_index("s")
    wid = sid * _NC + cid
    base = wid * _NPT

    pltpu.sync_copy(st_hbm, st_v)
    pltpu.sync_copy(en_hbm, en_v)
    pltpu.sync_copy(d0_hbm, d0_v)
    widv = jnp.broadcast_to(wid, (16,)).astype(jnp.int32)
    start = jnp.max(plsc.load_gather(st_v, [widv]))
    end = jnp.max(plsc.load_gather(en_v, [widv]))
    d_init = plsc.load_gather(d0_v, [widv])
    astart = (start // _C) * _C
    nch = (end - astart + _C - 1) // _C
    nbb = (nch + _BK - 1) // _BK

    zero16 = jnp.zeros((16,), jnp.float32)
    lanes = lax.iota(jnp.int32, 16)

    def init_body(i, carry):
        aggl_v[pl.ds(i * 16, 16)] = zero16
        return carry

    lax.fori_loop(0, _NPT * 8, init_body, 0)

    basev = jnp.broadcast_to(base, (16,)).astype(jnp.int32)
    colv = [lanes + 16 * j for j in range(8)]

    def gather_start(kc, buf):
        pltpu.async_copy(x_hbm.at[idxb_v.at[pl.ds(kc * _C, _C)]],
                         msg_v.at[buf], sem.at[buf])

    def gather_wait(buf):
        pltpu.make_async_copy(x_hbm.at[idxb_v.at[pl.ds(0, _C)]],
                              msg_v.at[buf], sem.at[buf]).wait()

    def bb_body(bb, carry):
        boff = astart + bb * _BIGC
        pltpu.sync_copy(src_hbm.at[pl.ds(boff, _BIGC)], idxb_v)
        pltpu.sync_copy(dstn_hbm.at[pl.ds(boff, _BIGC)], dstnb_v)
        kmax = jnp.minimum(nch - bb * _BK, _BK)
        for k0 in range(3):
            @pl.when(k0 < kmax)
            def _():
                gather_start(k0, k0)

        def chunk_body(kc, car):
            buf = lax.rem(kc, 4)
            gather_wait(buf)

            @pl.when(kc + 3 < kmax)
            def _():
                gather_start(kc + 3, lax.rem(kc + 3, 4))

            cb = boff + kc * _C
            e_lo = jnp.clip(start - cb, 0, _C)
            e_hi = jnp.clip(end - cb, 0, _C)

            @plsc.parallel_loop(e_lo, e_hi, 1, unroll=8, carry=car)
            def edge_body(m, car2):
                d, chm, acc = car2
                mv = jnp.broadcast_to(kc * _C + m, (16,)).astype(jnp.int32)
                dn = plsc.load_gather(dstnb_v, [mv])
                closem = dn != d
                rba = jnp.left_shift(d - basev, 7)
                nacc = []
                for j in range(8):
                    row = msg_v[buf, m, pl.ds(16 * j, 16)]
                    a = jnp.where(chm, row, jnp.maximum(acc[j], row))
                    plsc.store_scatter(aggl_v, [rba + colv[j]], a,
                                       mask=closem)
                    nacc.append(a)
                return (dn, closem, tuple(nacc))

            return edge_body

        return lax.fori_loop(0, kmax, chunk_body, carry)

    carry0 = (d_init, d_init == d_init, (zero16,) * 8)
    lax.fori_loop(0, nbb, bb_body, carry0)

    pltpu.sync_copy(aggl_v, agg_hbm.at[pl.ds(base * _D, _NPT * _D)])


@jax.jit
def _segmax(x_p, src_p, dstn_p, starts, ends, d0):
    mesh = plsc.VectorSubcoreMesh(core_axis_name="c", subcore_axis_name="s",
                                  num_cores=_NC, num_subcores=_NS)
    run = functools.partial(
        pl.kernel,
        out_type=jax.ShapeDtypeStruct((_NPAD * _D,), jnp.float32),
        mesh=mesh,
        scratch_types=[
            pltpu.VMEM((_NW,), jnp.int32),
            pltpu.VMEM((_NW,), jnp.int32),
            pltpu.VMEM((_NW,), jnp.int32),
            pltpu.VMEM((_BIGC,), jnp.int32),
            pltpu.VMEM((_BIGC,), jnp.int32),
            pltpu.VMEM((4, _C, _D), jnp.float32),
            pltpu.VMEM((_NPT * _D,), jnp.float32),
            pltpu.SemaphoreType.DMA((4,)),
        ],
        compiler_params=pltpu.CompilerParams(needs_layout_passes=False),
    )(_segmax_body)
    return run(x_p, src_p, dstn_p, starts, ends, d0).reshape(_NPAD, _D)



def _dense_body(x_ref, a_ref, wrel, brel, wroot, wu1, bu1, wu2, bu2, o_ref):
    x = x_ref[...]
    a = a_ref[...].astype(jnp.float32)
    conv = (jnp.dot(a, wrel[...], preferred_element_type=jnp.float32)
            + jnp.dot(x, wroot[...], preferred_element_type=jnp.float32)
            + brel[...])
    h = _mish(jnp.dot(conv, wu1[...], preferred_element_type=jnp.float32)
              + bu1[...])
    o_ref[...] = x + jnp.dot(h, wu2[...], preferred_element_type=jnp.float32) + bu2[...]


def _dense(x_p, agg_bf, wrelT, brel2, wrootT, wu1T, bu1_2, wu2T, bu2_2):
    mat = pl.BlockSpec((_D, _D), lambda i: (0, 0))
    vec = pl.BlockSpec((1, _D), lambda i: (0, 0))
    blk = pl.BlockSpec((_TBLK, _D), lambda i: (i, 0))
    return pl.pallas_call(
        _dense_body,
        grid=(_NPAD // _TBLK,),
        in_specs=[blk, blk, mat, vec, mat, mat, vec, mat, vec],
        out_specs=blk,
        out_shape=jax.ShapeDtypeStruct((_NPAD, _D), jnp.float32),
    )(x_p, agg_bf, wrelT, brel2, wrootT, wu1T, bu1_2, wu2T, bu2_2)



def _pool_body(x_ref, b_ref, wr1, br1, wr2, br2, o_ref, acc):
    i = pl.program_id(0)

    @pl.when(i == 0)
    def _():
        acc[...] = jnp.zeros_like(acc)

    oh = (b_ref[...] == lax.broadcasted_iota(jnp.int32, (1, _G), 1)
          ).astype(jnp.float32)
    acc[...] += lax.dot_general(oh, x_ref[...], (((0,), (0,)), ((), ())),
                                preferred_element_type=jnp.float32)

    @pl.when(i == pl.num_programs(0) - 1)
    def _():
        h = _mish(jnp.dot(acc[...], wr1[...],
                          preferred_element_type=jnp.float32) + br1[...])
        o_ref[...] = jnp.dot(h, wr2[...],
                             preferred_element_type=jnp.float32) + br2[...]


def _pool(x_p, batch2d, wr1T, br1_2, wr2T, br2_2):
    mat = pl.BlockSpec((_D, _D), lambda i: (0, 0))
    return pl.pallas_call(
        _pool_body,
        grid=(_NPAD // _TBLK,),
        in_specs=[
            pl.BlockSpec((_TBLK, _D), lambda i: (i, 0)),
            pl.BlockSpec((_TBLK, 1), lambda i: (i, 0)),
            mat,
            pl.BlockSpec((1, _D), lambda i: (0, 0)),
            pl.BlockSpec((_D, 1), lambda i: (0, 0)),
            pl.BlockSpec((1, 1), lambda i: (0, 0)),
        ],
        out_specs=pl.BlockSpec((_G, 1), lambda i: (0, 0)),
        out_shape=jax.ShapeDtypeStruct((_G, 1), jnp.float32),
        scratch_shapes=[pltpu.VMEM((_G, _D), jnp.float32)],
    )(x_p, batch2d, wr1T, br1_2, wr2T, br2_2)



def kernel(x, edge_index, batch, W_rel, b_rel, W_root, W_u1, b_u1,
           W_u2, b_u2, W_r1, b_r1, W_r2, b_r2):
    src = edge_index[0]
    dst = edge_index[1]
    key_s = lax.sort([dst * 16384 + src], is_stable=False)[0]
    dst_s = key_s >> 14
    src_s = key_s & 16383
    bounds = (jnp.arange(_NW, dtype=jnp.int32) * _NPT).astype(dst_s.dtype)
    starts = jnp.searchsorted(dst_s, bounds).astype(jnp.int32)
    ends = jnp.concatenate([starts[1:], jnp.array([_E], jnp.int32)])
    src_p = jnp.concatenate([src_s, jnp.zeros((_EPAD - _E,), jnp.int32)])
    dstn_p = jnp.concatenate([dst_s[1:],
                              jnp.full((_EPAD - _E + 1,), _NPAD, jnp.int32)])
    dst_pad = jnp.concatenate([dst_s, jnp.full((_NW,), _NPAD, jnp.int32)])
    d0 = dst_pad[starts]

    x_p = jnp.concatenate([x, jnp.zeros((_NPAD - _N, _D), jnp.float32)], axis=0)
    batch2d = jnp.concatenate([batch, jnp.full((_NPAD - _N,), _G, jnp.int32)]
                              ).reshape(_NPAD, 1)

    wrelT = W_rel.T
    wrootT = W_root.T
    wu1T = W_u1.T
    wu2T = W_u2.T
    wr1T = W_r1.T
    wr2T = W_r2.T
    brel2 = b_rel.reshape(1, _D)
    bu1_2 = b_u1.reshape(1, _D)
    bu2_2 = b_u2.reshape(1, _D)
    br1_2 = b_r1.reshape(1, _D)
    br2_2 = b_r2.reshape(1, 1)

    for _ in range(_L):
        agg = _segmax(x_p, src_p, dstn_p, starts, ends, d0)
        x_p = _dense(x_p, agg, wrelT, brel2, wrootT, wu1T, bu1_2, wu2T, bu2_2)

    return _pool(x_p, batch2d, wr1T, br1_2, wr2T, br2_2)

# --- scband reference (transcript-rebuilt; emitter-appended) ---
"""Pipeline reference for scband-gnn-35046933135754 (READ-ONLY COPY).

The authoritative reference and input builder live on the scoring server;
editing this copy changes nothing except your own understanding.
"""

import jax, jax.numpy as jnp
import numpy as np

N = 10000
E = 320000
D = 128
G = 64
L = 3


def mish(v):
    return v * jnp.tanh(jax.nn.softplus(v))


def setup_inputs(seed: int = 0) -> dict:
    key = jax.random.key(seed)
    ks = jax.random.split(key, 14)
    s = 1.0 / np.sqrt(D)
    x = jax.random.normal(ks[0], (N, D), dtype=jnp.float32)
    edge_index = jax.random.randint(ks[1], (2, E), 0, N, dtype=jnp.int32)
    batch = jnp.sort(jax.random.randint(ks[2], (N,), 0, G, dtype=jnp.int32))
    W_rel = jax.random.normal(ks[3], (D, D), dtype=jnp.float32) * s
    b_rel = jax.random.normal(ks[4], (D,), dtype=jnp.float32) * s
    W_root = jax.random.normal(ks[5], (D, D), dtype=jnp.float32) * s
    W_u1 = jax.random.normal(ks[6], (D, D), dtype=jnp.float32) * s
    b_u1 = jax.random.normal(ks[7], (D,), dtype=jnp.float32) * s
    W_u2 = jax.random.normal(ks[8], (D, D), dtype=jnp.float32) * s
    b_u2 = jax.random.normal(ks[9], (D,), dtype=jnp.float32) * s
    W_r1 = jax.random.normal(ks[10], (D, D), dtype=jnp.float32) * s
    b_r1 = jax.random.normal(ks[11], (D,), dtype=jnp.float32) * s
    W_r2 = jax.random.normal(ks[12], (1, D), dtype=jnp.float32) * s
    b_r2 = jax.random.normal(ks[13], (1,), dtype=jnp.float32) * s
    return {"x": x, "edge_index": edge_index, "batch": batch,
            "W_rel": W_rel, "b_rel": b_rel, "W_root": W_root,
            "W_u1": W_u1, "b_u1": b_u1, "W_u2": W_u2, "b_u2": b_u2,
            "W_r1": W_r1, "b_r1": b_r1, "W_r2": W_r2, "b_r2": b_r2}


def reference(x, edge_index, batch, W_rel, b_rel, W_root, W_u1, b_u1, W_u2, b_u2, W_r1, b_r1, W_r2, b_r2):
    src = edge_index[0]
    dst = edge_index[1]
    for _ in range(L):
        msgs = jnp.take(x, src, axis=0)
        agg = jax.ops.segment_max(msgs, dst, num_segments=N)
        agg = jnp.where(jnp.isfinite(agg), agg, 0.0)
        conv = agg @ W_rel.T + b_rel + x @ W_root.T
        upd = mish(conv @ W_u1.T + b_u1) @ W_u2.T + b_u2
        x = x + upd
    pooled = jax.ops.segment_sum(x, batch, num_segments=G)
    out = mish(pooled @ W_r1.T + b_r1) @ W_r2.T + b_r2
    return out

if __name__ == "__main__":
    import jax
    _d = setup_inputs()
    print(jax.jit(kernel)(*tuple(_d.values())))

</pallas_src>

<mosaic_0001>
#map = affine_map<(d0, d1) -> (0, 0)>
#map1 = affine_map<(d0, d1) -> (0)>
module attributes {stable_mosaic.version = 14 : i64} {
  func.func @_segmax_body(%arg0: i32, %arg1: i32, %arg2: memref<10240x128xf32, #tpu.memory_space<hbm>>, %arg3: memref<324096xi32, #tpu.memory_space<hbm>>, %arg4: memref<324096xi32, #tpu.memory_space<hbm>>, %arg5: memref<32xi32, #tpu.memory_space<hbm>>, %arg6: memref<32xi32, #tpu.memory_space<hbm>>, %arg7: memref<32xi32, #tpu.memory_space<hbm>>, %arg8: memref<1310720xf32, #tpu.memory_space<hbm>>, %arg9: memref<32xi32, #tpu.memory_space<vmem>>, %arg10: memref<32xi32, #tpu.memory_space<vmem>>, %arg11: memref<32xi32, #tpu.memory_space<vmem>>, %arg12: memref<2048xi32, #tpu.memory_space<vmem>>, %arg13: memref<2048xi32, #tpu.memory_space<vmem>>, %arg14: memref<4x128x128xf32, #tpu.memory_space<vmem>>, %arg15: memref<40960xf32, #tpu.memory_space<vmem>>, %arg16: memref<4x!tpu.dma_semaphore, #tpu.memory_space<semaphore_mem>>) attributes {dimension_semantics = [#tpu.dimension_semantics<core_parallel>, #tpu.dimension_semantics<subcore_parallel>], iteration_bounds = array<i64: 2, 16>, scalar_prefetch = 0 : i64, scratch_operands = 8 : i64, tpu.core_type = #tpu.core_type<sc_vector_subcore>, window_params = [{transform_indices = #map}, {transform_indices = #map1}, {transform_indices = #map1}, {transform_indices = #map1}, {transform_indices = #map1}, {transform_indices = #map1}, {transform_indices = #map1}]} {
    %mul3A = arith.constant 2 : i32
    %mul3A_0 = arith.muli %arg1, %mul3A : i32
    %add3A = arith.addi %mul3A_0, %arg0 : i32
    %mul3A_1 = arith.constant 320 : i32
    %mul3A_2 = arith.muli %add3A, %mul3A_1 : i32
    "tpu.region"() ({
      %run_scoped3A = tpu.sem_alloc : memref<!tpu.dma_semaphore, #tpu.memory_space<semaphore_mem>>
      tpu.enqueue_dma source(%arg5 : memref<32xi32, #tpu.memory_space<hbm>>) target(%arg9 : memref<32xi32, #tpu.memory_space<vmem>>) target_semaphore(%run_scoped3A : memref<!tpu.dma_semaphore, #tpu.memory_space<semaphore_mem>>)
      tpu.wait_dma2 semaphore(%run_scoped3A : memref<!tpu.dma_semaphore, #tpu.memory_space<semaphore_mem>>) src(%arg5 : memref<32xi32, #tpu.memory_space<hbm>>) dst(%arg9 : memref<32xi32, #tpu.memory_space<vmem>>)
      tpu.yield
    }) : () -> ()
    "tpu.region"() ({
      %run_scoped3A = tpu.sem_alloc : memref<!tpu.dma_semaphore, #tpu.memory_space<semaphore_mem>>
      tpu.enqueue_dma source(%arg6 : memref<32xi32, #tpu.memory_space<hbm>>) target(%arg10 : memref<32xi32, #tpu.memory_space<vmem>>) target_semaphore(%run_scoped3A : memref<!tpu.dma_semaphore, #tpu.memory_space<semaphore_mem>>)
      tpu.wait_dma2 semaphore(%run_scoped3A : memref<!tpu.dma_semaphore, #tpu.memory_space<semaphore_mem>>) src(%arg6 : memref<32xi32, #tpu.memory_space<hbm>>) dst(%arg10 : memref<32xi32, #tpu.memory_space<vmem>>)
      tpu.yield
    }) : () -> ()
    "tpu.region"() ({
      %run_scoped3A = tpu.sem_alloc : memref<!tpu.dma_semaphore, #tpu.memory_space<semaphore_mem>>
      tpu.enqueue_dma source(%arg7 : memref<32xi32, #tpu.memory_space<hbm>>) target(%arg11 : memref<32xi32, #tpu.memory_space<vmem>>) target_semaphore(%run_scoped3A : memref<!tpu.dma_semaphore, #tpu.memory_space<semaphore_mem>>)
      tpu.wait_dma2 semaphore(%run_scoped3A : memref<!tpu.dma_semaphore, #tpu.memory_space<semaphore_mem>>) src(%arg7 : memref<32xi32, #tpu.memory_space<hbm>>) dst(%arg11 : memref<32xi32, #tpu.memory_space<vmem>>)
      tpu.yield
    }) : () -> ()
    %broadcast_in_dim3A = vector.broadcast %add3A : i32 to vector<16xi32>
    %gather3A = tpu.vector_load_idx %arg9[%broadcast_in_dim3A] : memref<32xi32, #tpu.memory_space<vmem>>[vector<16xi32>], vector<16xi32>,
    %reduce_max3A = arith.constant true
    %reduce_max3A_3 = vector.broadcast %reduce_max3A : i1 to vector<16xi1>
    %reduce_max3A_4 = arith.constant -2147483648 : i32
    %reduce_max3A_5 = vector.broadcast %reduce_max3A_4 : i32 to vector<16xi32>
    %reduce_max3A_6 = arith.xori %gather3A, %reduce_max3A_5 : vector<16xi32>
    %reduce_max3A_7 = tpu.scan <max>, %reduce_max3A_6 masked %reduce_max3A_3 : vector<16xi32>, vector<16xi1> -> vector<16xi32>
    %reduce_max3A_8 = arith.xori %reduce_max3A_7, %reduce_max3A_5 : vector<16xi32>
    %reduce_max3A_9 = vector.extract %reduce_max3A_8[15] : i32 from vector<16xi32>
    %gather3A_10 = tpu.vector_load_idx %arg10[%broadcast_in_dim3A] : memref<32xi32, #tpu.memory_space<vmem>>[vector<16xi32>], vector<16xi32>,
    %reduce_max3A_11 = arith.constant true
    %reduce_max3A_12 = vector.broadcast %reduce_max3A_11 : i1 to vector<16xi1>
    %reduce_max3A_13 = arith.constant -2147483648 : i32
    %reduce_max3A_14 = vector.broadcast %reduce_max3A_13 : i32 to vector<16xi32>
    %reduce_max3A_15 = arith.xori %gather3A_10, %reduce_max3A_14 : vector<16xi32>
    %reduce_max3A_16 = tpu.scan <max>, %reduce_max3A_15 masked %reduce_max3A_12 : vector<16xi32>, vector<16xi1> -> vector<16xi32>
    %reduce_max3A_17 = arith.xori %reduce_max3A_16, %reduce_max3A_14 : vector<16xi32>
    %reduce_max3A_18 = vector.extract %reduce_max3A_17[15] : i32 from vector<16xi32>
    %gather3A_19 = tpu.vector_load_idx %arg11[%broadcast_in_dim3A] : memref<32xi32, #tpu.memory_space<vmem>>[vector<16xi32>], vector<16xi32>,
    %jit3A = arith.constant 128 : i32
    %div3A = arith.divsi %reduce_max3A_9, %jit3A : i32
    %sign3A = arith.constant 0 : i32
    %sign3A_20 = arith.cmpi sgt, %reduce_max3A_9, %sign3A : i32
    %sign3A_21 = arith.extui %sign3A_20 : i1 to i32
    %sign3A_22 = arith.constant 0 : i32
    %sign3A_23 = arith.cmpi slt, %reduce_max3A_9, %sign3A_22 : i32
    %sign3A_24 = arith.extui %sign3A_23 : i1 to i32
    %sign3A_25 = arith.subi %sign3A_21, %sign3A_24 : i32
    %sign3A_26 = arith.constant 0 : i32
    %sign3A_27 = arith.cmpi sgt, %jit3A, %sign3A_26 : i32
    %sign3A_28 = arith.extui %sign3A_27 : i1 to i32
    %sign3A_29 = arith.constant 0 : i32
    %sign3A_30 = arith.cmpi slt, %jit3A, %sign3A_29 : i32
    %sign3A_31 = arith.extui %sign3A_30 : i1 to i32
    %sign3A_32 = arith.subi %sign3A_28, %sign3A_31 : i32
    %ne3A = arith.cmpi ne, %sign3A_25, %sign3A_32 : i32
    %rem3A = arith.remsi %reduce_max3A_9, %jit3A : i32
    %ne3A_33 = arith.constant 0 : i32
    %ne3A_34 = arith.cmpi ne, %rem3A, %ne3A_33 : i32
    %and3A = arith.andi %ne3A, %ne3A_34 : i1
    %sub3A = arith.constant 1 : i32
    %sub3A_35 = arith.subi %div3A, %sub3A : i32
    %select_n3A = arith.select %and3A, %sub3A_35, %div3A : i32
    %mul3A_36 = arith.constant 128 : i32
    %mul3A_37 = arith.muli %select_n3A, %mul3A_36 : i32
    %sub3A_38 = arith.subi %reduce_max3A_18, %mul3A_37 : i32
    %add3A_39 = arith.constant 128 : i32
    %add3A_40 = arith.addi %sub3A_38, %add3A_39 : i32
    %sub3A_41 = arith.constant 1 : i32
    %sub3A_42 = arith.subi %add3A_40, %sub3A_41 : i32
    %jit3A_43 = arith.constant 128 : i32
    %div3A_44 = arith.divsi %sub3A_42, %jit3A_43 : i32
    %sign3A_45 = arith.constant 0 : i32
    %sign3A_46 = arith.cmpi sgt, %sub3A_42, %sign3A_45 : i32
    %sign3A_47 = arith.extui %sign3A_46 : i1 to i32
    %sign3A_48 = arith.constant 0 : i32
    %sign3A_49 = arith.cmpi slt, %sub3A_42, %sign3A_48 : i32
    %sign3A_50 = arith.extui %sign3A_49 : i1 to i32
    %sign3A_51 = arith.subi %sign3A_47, %sign3A_50 : i32
    %sign3A_52 = arith.constant 0 : i32
    %sign3A_53 = arith.cmpi sgt, %jit3A_43, %sign3A_52 : i32
    %sign3A_54 = arith.extui %sign3A_53 : i1 to i32
    %sign3A_55 = arith.constant 0 : i32
    %sign3A_56 = arith.cmpi slt, %jit3A_43, %sign3A_55 : i32
    %sign3A_57 = arith.extui %sign3A_56 : i1 to i32
    %sign3A_58 = arith.subi %sign3A_54, %sign3A_57 : i32
    %ne3A_59 = arith.cmpi ne, %sign3A_51, %sign3A_58 : i32
    %rem3A_60 = arith.remsi %sub3A_42, %jit3A_43 : i32
    %ne3A_61 = arith.constant 0 : i32
    %ne3A_62 = arith.cmpi ne, %rem3A_60, %ne3A_61 : i32
    %and3A_63 = arith.andi %ne3A_59, %ne3A_62 : i1
    %sub3A_64 = arith.constant 1 : i32
    %sub3A_65 = arith.subi %div3A_44, %sub3A_64 : i32
    %select_n3A_66 = arith.select %and3A_63, %sub3A_65, %div3A_44 : i32
    %add3A_67 = arith.constant 16 : i32
    %add3A_68 = arith.addi %select_n3A_66, %add3A_67 : i32
    %sub3A_69 = arith.constant 1 : i32
    %sub3A_70 = arith.subi %add3A_68, %sub3A_69 : i32
    %jit3A_71 = arith.constant 16 : i32
    %div3A_72 = arith.divsi %sub3A_70, %jit3A_71 : i32
    %sign3A_73 = arith.constant 0 : i32
    %sign3A_74 = arith.cmpi sgt, %sub3A_70, %sign3A_73 : i32
    %sign3A_75 = arith.extui %sign3A_74 : i1 to i32
    %sign3A_76 = arith.constant 0 : i32
    %sign3A_77 = arith.cmpi slt, %sub3A_70, %sign3A_76 : i32
    %sign3A_78 = arith.extui %sign3A_77 : i1 to i32
    %sign3A_79 = arith.subi %sign3A_75, %sign3A_78 : i32
    %sign3A_80 = arith.constant 0 : i32
    %sign3A_81 = arith.cmpi sgt, %jit3A_71, %sign3A_80 : i32
    %sign3A_82 = arith.extui %sign3A_81 : i1 to i32
    %sign3A_83 = arith.constant 0 : i32
    %sign3A_84 = arith.cmpi slt, %jit3A_71, %sign3A_83 : i32
    %sign3A_85 = arith.extui %sign3A_84 : i1 to i32
    %sign3A_86 = arith.subi %sign3A_82, %sign3A_85 : i32
    %ne3A_87 = arith.cmpi ne, %sign3A_79, %sign3A_86 : i32
    %rem3A_88 = arith.remsi %sub3A_70, %jit3A_71 : i32
    %ne3A_89 = arith.constant 0 : i32
    %ne3A_90 = arith.cmpi ne, %rem3A_88, %ne3A_89 : i32
    %and3A_91 = arith.andi %ne3A_87, %ne3A_90 : i1
    %sub3A_92 = arith.constant 1 : i32
    %sub3A_93 = arith.subi %div3A_72, %sub3A_92 : i32
    %select_n3A_94 = arith.select %and3A_91, %sub3A_93, %div3A_72 : i32
    %broadcast_in_dim3A_95 = arith.constant 0.000000e+00 : f32
    %broadcast_in_dim3A_96 = vector.broadcast %broadcast_in_dim3A_95 : f32 to vector<16xf32>
    %iota3A = tpu.iota {dimensions = array<i32: 0>} : vector<16xi32>
    %scan3A = arith.constant 0 : i32
    %scan3A_97 = arith.constant 0 : i32
    %scan3A_98 = arith.constant 2560 : i32
    %scan3A_99 = arith.addi %scan3A_97, %scan3A_98 : i32
    %scan3A_100 = arith.constant 1 : i32
    scf.for %scan3A_139 = %scan3A_97 to %scan3A_99 step %scan3A_100  : i32 {
      %mul3A_140 = arith.constant 16 : i32
      %mul3A_141 = arith.muli %scan3A_139, %mul3A_140 : i32
      %swap3A = arith.index_cast %mul3A_141 : i32 to index
      %swap3A_142 = tpu.vector_load %arg15[%swap3A] {strides = array<i32>} : memref<40960xf32, #tpu.memory_space<vmem>>, vector<16xf32>,
      tpu.vector_store %arg15[%swap3A], %broadcast_in_dim3A_96 {strides = array<i32>} : memref<40960xf32, #tpu.memory_space<vmem>>, vector<16xf32>,
    }
    %scan3A_101 = arith.constant 2560 : i32
    %broadcast_in_dim3A_102 = vector.broadcast %mul3A_2 : i32 to vector<16xi32>
    %add3A_103 = arith.constant 0 : i32
    %add3A_104 = vector.broadcast %add3A_103 : i32 to vector<16xi32>
    %add3A_105 = arith.addi %iota3A, %add3A_104 : vector<16xi32>
    %add3A_106 = arith.constant 16 : i32
    %add3A_107 = vector.broadcast %add3A_106 : i32 to vector<16xi32>
    %add3A_108 = arith.addi %iota3A, %add3A_107 : vector<16xi32>
    %add3A_109 = arith.constant 32 : i32
    %add3A_110 = vector.broadcast %add3A_109 : i32 to vector<16xi32>
    %add3A_111 = arith.addi %iota3A, %add3A_110 : vector<16xi32>
    %add3A_112 = arith.constant 48 : i32
    %add3A_113 = vector.broadcast %add3A_112 : i32 to vector<16xi32>
    %add3A_114 = arith.addi %iota3A, %add3A_113 : vector<16xi32>
    %add3A_115 = arith.constant 64 : i32
    %add3A_116 = vector.broadcast %add3A_115 : i32 to vector<16xi32>
    %add3A_117 = arith.addi %iota3A, %add3A_116 : vector<16xi32>
    %add3A_118 = arith.constant 80 : i32
    %add3A_119 = vector.broadcast %add3A_118 : i32 to vector<16xi32>
    %add3A_120 = arith.addi %iota3A, %add3A_119 : vector<16xi32>
    %add3A_121 = arith.constant 96 : i32
    %add3A_122 = vector.broadcast %add3A_121 : i32 to vector<16xi32>
    %add3A_123 = arith.addi %iota3A, %add3A_122 : vector<16xi32>
    %add3A_124 = arith.constant 112 : i32
    %add3A_125 = vector.broadcast %add3A_124 : i32 to vector<16xi32>
    %add3A_126 = arith.addi %iota3A, %add3A_125 : vector<16xi32>
    %eq3A = arith.cmpi eq, %gather3A_19, %gather3A_19 : vector<16xi32>
    %while3A = arith.constant 0 : i32
    %while3A_127 = arith.subi %select_n3A_94, %while3A : i32
    %while3A_128 = arith.addi %while3A, %while3A_127 : i32
    %while3A_129 = arith.constant 1 : i32
    %while3A_130 = arith.divsi %while3A_127, %while3A_129 : i32
    %while3A_131 = arith.muli %while3A_130, %while3A_129 : i32
    %while3A_132 = arith.addi %while3A, %while3A_131 : i32
    %while3A_133 = arith.constant 1 : i32
    %while3A_134:10 = scf.for %while3A_139 = %while3A to %while3A_132 step %while3A_133 iter_args(%while3A_140 = %gather3A_19, %while3A_141 = %eq3A, %while3A_142 = %broadcast_in_dim3A_96, %while3A_143 = %broadcast_in_dim3A_96, %while3A_144 = %broadcast_in_dim3A_96, %while3A_145 = %broadcast_in_dim3A_96, %while3A_146 = %broadcast_in_dim3A_96, %while3A_147 = %broadcast_in_dim3A_96, %while3A_148 = %broadcast_in_dim3A_96, %while3A_149 = %broadcast_in_dim3A_96) -> (vector<16xi32>, vector<16xi1>, vector<16xf32>, vector<16xf32>, vector<16xf32>, vector<16xf32>, vector<16xf32>, vector<16xf32>, vector<16xf32>, vector<16xf32>)  : i32 {
      %mul3A_150 = arith.constant 2048 : i32
      %mul3A_151 = arith.muli %while3A_139, %mul3A_150 : i32
      %add3A_152 = arith.addi %mul3A_37, %mul3A_151 : i32
      "tpu.region"() ({
        %run_scoped3A = tpu.sem_alloc : memref<!tpu.dma_semaphore, #tpu.memory_space<semaphore_mem>>
        %dma_start3A = tpu.memref_slice %arg3[%add3A_152] : memref<324096xi32, #tpu.memory_space<hbm>> -> memref<2048xi32, #tpu.memory_space<hbm>>
        %dma_start3A_180 = tpu.memref_slice %arg3[%add3A_152] : memref<324096xi32, #tpu.memory_space<hbm>> -> memref<2048xi32, #tpu.memory_space<hbm>>
        tpu.enqueue_dma source(%dma_start3A_180 : memref<2048xi32, #tpu.memory_space<hbm>>) target(%arg12 : memref<2048xi32, #tpu.memory_space<vmem>>) target_semaphore(%run_scoped3A : memref<!tpu.dma_semaphore, #tpu.memory_space<semaphore_mem>>)
        %dma_wait3A = tpu.memref_slice %arg3[%add3A_152] : memref<324096xi32, #tpu.memory_space<hbm>> -> memref<2048xi32, #tpu.memory_space<hbm>>
        %dma_wait3A_181 = tpu.memref_slice %arg3[%add3A_152] : memref<324096xi32, #tpu.memory_space<hbm>> -> memref<2048xi32, #tpu.memory_space<hbm>>
        tpu.wait_dma2 semaphore(%run_scoped3A : memref<!tpu.dma_semaphore, #tpu.memory_space<semaphore_mem>>) src(%dma_wait3A_181 : memref<2048xi32, #tpu.memory_space<hbm>>) dst(%arg12 : memref<2048xi32, #tpu.memory_space<vmem>>)
        tpu.yield
      }) : () -> ()
      "tpu.region"() ({
        %run_scoped3A = tpu.sem_alloc : memref<!tpu.dma_semaphore, #tpu.memory_space<semaphore_mem>>
        %dma_start3A = tpu.memref_slice %arg4[%add3A_152] : memref<324096xi32, #tpu.memory_space<hbm>> -> memref<2048xi32, #tpu.memory_space<hbm>>
        %dma_start3A_180 = tpu.memref_slice %arg4[%add3A_152] : memref<324096xi32, #tpu.memory_space<hbm>> -> memref<2048xi32, #tpu.memory_space<hbm>>
        tpu.enqueue_dma source(%dma_start3A_180 : memref<2048xi32, #tpu.memory_space<hbm>>) target(%arg13 : memref<2048xi32, #tpu.memory_space<vmem>>) target_semaphore(%run_scoped3A : memref<!tpu.dma_semaphore, #tpu.memory_space<semaphore_mem>>)
        %dma_wait3A = tpu.memref_slice %arg4[%add3A_152] : memref<324096xi32, #tpu.memory_space<hbm>> -> memref<2048xi32, #tpu.memory_space<hbm>>
        %dma_wait3A_181 = tpu.memref_slice %arg4[%add3A_152] : memref<324096xi32, #tpu.memory_space<hbm>> -> memref<2048xi32, #tpu.memory_space<hbm>>
        tpu.wait_dma2 semaphore(%run_scoped3A : memref<!tpu.dma_semaphore, #tpu.memory_space<semaphore_mem>>) src(%dma_wait3A_181 : memref<2048xi32, #tpu.memory_space<hbm>>) dst(%arg13 : memref<2048xi32, #tpu.memory_space<vmem>>)
        tpu.yield
      }) : () -> ()
      %mul3A_153 = arith.constant 16 : i32
      %mul3A_154 = arith.muli %while3A_139, %mul3A_153 : i32
      %sub3A_155 = arith.subi %select_n3A_66, %mul3A_154 : i32
      %min3A = arith.constant 16 : i32
      %min3A_156 = arith.minsi %sub3A_155, %min3A : i32
      %gt3A = arith.constant 0 : i32
      %gt3A_157 = arith.cmpi sgt, %min3A_156, %gt3A : i32
      %convert_element_type3A = arith.extui %gt3A_157 : i1 to i32
      %cond3A = arith.constant 0 : i32
      %cond3A_158 = arith.cmpi ne, %convert_element_type3A, %cond3A : i32
      scf.if %cond3A_158 {
        %dma_start3A = arith.constant 0 : i32
        %dma_start3A_180 = arith.constant 0 : i32
        %dma_start3A_181 = arith.constant 0 : i32
        %dma_start3A_182 = arith.constant 0 : i32
        %dma_start3A_183 = tpu.memref_slice %arg14[%dma_start3A, %dma_start3A_181, %dma_start3A_182] : memref<4x128x128xf32, #tpu.memory_space<vmem>> -> memref<1x128x128xf32, #tpu.memory_space<vmem>>
        %dma_start3A_184 = tpu.memref_squeeze %dma_start3A_183 : memref<1x128x128xf32, #tpu.memory_space<vmem>> -> memref<128x128xf32, #tpu.memory_space<vmem>>
        %dma_start3A_185 = arith.constant 0 : i32
        %dma_start3A_186 = tpu.memref_slice %arg12[%dma_start3A_185] : memref<2048xi32, #tpu.memory_space<vmem>> -> memref<128xi32, #tpu.memory_space<vmem>>
        %dma_start3A_187 = arith.constant 0 : i32
        %dma_start3A_188 = arith.constant 0 : i32
        %dma_start3A_189 = tpu.memref_slice %arg2[%dma_start3A_187, %dma_start3A_188] : memref<10240x128xf32, #tpu.memory_space<hbm>> -> memref<10240x128xf32, #tpu.memory_space<hbm>>
        %dma_start3A_190 = tpu.memref_slice %arg16[%dma_start3A_180] : memref<4x!tpu.dma_semaphore, #tpu.memory_space<semaphore_mem>> -> memref<1x!tpu.dma_semaphore, #tpu.memory_space<semaphore_mem>>
        %dma_start3A_191 = tpu.memref_squeeze %dma_start3A_190 : memref<1x!tpu.dma_semaphore, #tpu.memory_space<semaphore_mem>> -> memref<!tpu.dma_semaphore, #tpu.memory_space<semaphore_mem>>
        tpu.enqueue_indirect_dma source(%dma_start3A_189 : memref<10240x128xf32, #tpu.memory_space<hbm>>) target(%dma_start3A_184 : memref<128x128xf32, #tpu.memory_space<vmem>>) offsets(%dma_start3A_186 : memref<128xi32, #tpu.memory_space<vmem>>) semaphore(%dma_start3A_191 : memref<!tpu.dma_semaphore, #tpu.memory_space<semaphore_mem>>)
      } else {
      }
      %gt3A_159 = arith.constant 1 : i32
      %gt3A_160 = arith.cmpi sgt, %min3A_156, %gt3A_159 : i32
      %convert_element_type3A_161 = arith.extui %gt3A_160 : i1 to i32
      %cond3A_162 = arith.constant 0 : i32
      %cond3A_163 = arith.cmpi ne, %convert_element_type3A_161, %cond3A_162 : i32
      scf.if %cond3A_163 {
        %dma_start3A = arith.constant 1 : i32
        %dma_start3A_180 = arith.constant 1 : i32
        %dma_start3A_181 = arith.constant 0 : i32
        %dma_start3A_182 = arith.constant 0 : i32
        %dma_start3A_183 = tpu.memref_slice %arg14[%dma_start3A, %dma_start3A_181, %dma_start3A_182] : memref<4x128x128xf32, #tpu.memory_space<vmem>> -> memref<1x128x128xf32, #tpu.memory_space<vmem>>
        %dma_start3A_184 = tpu.memref_squeeze %dma_start3A_183 : memref<1x128x128xf32, #tpu.memory_space<vmem>> -> memref<128x128xf32, #tpu.memory_space<vmem>>
        %dma_start3A_185 = arith.constant 128 : i32
        %dma_start3A_186 = tpu.memref_slice %arg12[%dma_start3A_185] : memref<2048xi32, #tpu.memory_space<vmem>> -> memref<128xi32, #tpu.memory_space<vmem>>
        %dma_start3A_187 = arith.constant 0 : i32
        %dma_start3A_188 = arith.constant 0 : i32
        %dma_start3A_189 = tpu.memref_slice %arg2[%dma_start3A_187, %dma_start3A_188] : memref<10240x128xf32, #tpu.memory_space<hbm>> -> memref<10240x128xf32, #tpu.memory_space<hbm>>
        %dma_start3A_190 = tpu.memref_slice %arg16[%dma_start3A_180] : memref<4x!tpu.dma_semaphore, #tpu.memory_space<semaphore_mem>> -> memref<1x!tpu.dma_semaphore, #tpu.memory_space<semaphore_mem>>
        %dma_start3A_191 = tpu.memref_squeeze %dma_start3A_190 : memref<1x!tpu.dma_semaphore, #tpu.memory_space<semaphore_mem>> -> memref<!tpu.dma_semaphore, #tpu.memory_space<semaphore_mem>>
        tpu.enqueue_indirect_dma source(%dma_start3A_189 : memref<10240x128xf32, #tpu.memory_space<hbm>>) target(%dma_start3A_184 : memref<128x128xf32, #tpu.memory_space<vmem>>) offsets(%dma_start3A_186 : memref<128xi32, #tpu.memory_space<vmem>>) semaphore(%dma_start3A_191 : memref<!tpu.dma_semaphore, #tpu.memory_space<semaphore_mem>>)
      } else {
      }
      %gt3A_164 = arith.constant 2 : i32
      %gt3A_165 = arith.cmpi sgt, %min3A_156, %gt3A_164 : i32
      %convert_element_type3A_166 = arith.extui %gt3A_165 : i1 to i32
      %cond3A_167 = arith.constant 0 : i32
      %cond3A_168 = arith.cmpi ne, %convert_element_type3A_166, %cond3A_167 : i32
      scf.if %cond3A_168 {
        %dma_start3A = arith.constant 2 : i32
        %dma_start3A_180 = arith.constant 2 : i32
        %dma_start3A_181 = arith.constant 0 : i32
        %dma_start3A_182 = arith.constant 0 : i32
        %dma_start3A_183 = tpu.memref_slice %arg14[%dma_start3A, %dma_start3A_181, %dma_start3A_182] : memref<4x128x128xf32, #tpu.memory_space<vmem>> -> memref<1x128x128xf32, #tpu.memory_space<vmem>>
        %dma_start3A_184 = tpu.memref_squeeze %dma_start3A_183 : memref<1x128x128xf32, #tpu.memory_space<vmem>> -> memref<128x128xf32, #tpu.memory_space<vmem>>
        %dma_start3A_185 = arith.constant 256 : i32
        %dma_start3A_186 = tpu.memref_slice %arg12[%dma_start3A_185] : memref<2048xi32, #tpu.memory_space<vmem>> -> memref<128xi32, #tpu.memory_space<vmem>>
        %dma_start3A_187 = arith.constant 0 : i32
        %dma_start3A_188 = arith.constant 0 : i32
        %dma_start3A_189 = tpu.memref_slice %arg2[%dma_start3A_187, %dma_start3A_188] : memref<10240x128xf32, #tpu.memory_space<hbm>> -> memref<10240x128xf32, #tpu.memory_space<hbm>>
        %dma_start3A_190 = tpu.memref_slice %arg16[%dma_start3A_180] : memref<4x!tpu.dma_semaphore, #tpu.memory_space<semaphore_mem>> -> memref<1x!tpu.dma_semaphore, #tpu.memory_space<semaphore_mem>>
        %dma_start3A_191 = tpu.memref_squeeze %dma_start3A_190 : memref<1x!tpu.dma_semaphore, #tpu.memory_space<semaphore_mem>> -> memref<!tpu.dma_semaphore, #tpu.memory_space<semaphore_mem>>
        tpu.enqueue_indirect_dma source(%dma_start3A_189 : memref<10240x128xf32, #tpu.memory_space<hbm>>) target(%dma_start3A_184 : memref<128x128xf32, #tpu.memory_space<vmem>>) offsets(%dma_start3A_186 : memref<128xi32, #tpu.memory_space<vmem>>) semaphore(%dma_start3A_191 : memref<!tpu.dma_semaphore, #tpu.memory_space<semaphore_mem>>)
      } else {
      }
      %while3A_169 = arith.constant 0 : i32
      %while3A_170 = arith.subi %min3A_156, %while3A_169 : i32
      %while3A_171 = arith.addi %while3A_169, %while3A_170 : i32
      %while3A_172 = arith.constant 1 : i32
      %while3A_173 = arith.divsi %while3A_170, %while3A_172 : i32
      %while3A_174 = arith.muli %while3A_173, %while3A_172 : i32
      %while3A_175 = arith.addi %while3A_169, %while3A_174 : i32
      %while3A_176 = arith.constant 1 : i32
      %while3A_177:10 = scf.for %while3A_180 = %while3A_169 to %while3A_175 step %while3A_176 iter_args(%while3A_181 = %while3A_140, %while3A_182 = %while3A_141, %while3A_183 = %while3A_142, %while3A_184 = %while3A_143, %while3A_185 = %while3A_144, %while3A_186 = %while3A_145, %while3A_187 = %while3A_146, %while3A_188 = %while3A_147, %while3A_189 = %while3A_148, %while3A_190 = %while3A_149) -> (vector<16xi32>, vector<16xi1>, vector<16xf32>, vector<16xf32>, vector<16xf32>, vector<16xf32>, vector<16xf32>, vector<16xf32>, vector<16xf32>, vector<16xf32>)  : i32 {
        %rem3A_191 = arith.constant 4 : i32
        %rem3A_192 = arith.remsi %while3A_180, %rem3A_191 : i32
        %dma_wait3A = arith.constant 0 : i32
        %dma_wait3A_193 = arith.constant 0 : i32
        %dma_wait3A_194 = tpu.memref_slice %arg14[%rem3A_192, %dma_wait3A, %dma_wait3A_193] : memref<4x128x128xf32, #tpu.memory_space<vmem>> -> memref<1x128x128xf32, #tpu.memory_space<vmem>>
        %dma_wait3A_195 = tpu.memref_squeeze %dma_wait3A_194 : memref<1x128x128xf32, #tpu.memory_space<vmem>> -> memref<128x128xf32, #tpu.memory_space<vmem>>
        %dma_wait3A_196 = arith.constant 0 : i32
        %dma_wait3A_197 = tpu.memref_slice %arg12[%dma_wait3A_196] : memref<2048xi32, #tpu.memory_space<vmem>> -> memref<128xi32, #tpu.memory_space<vmem>>
        %dma_wait3A_198 = arith.constant 0 : i32
        %dma_wait3A_199 = arith.constant 0 : i32
        %dma_wait3A_200 = tpu.memref_slice %arg2[%dma_wait3A_198, %dma_wait3A_199] : memref<10240x128xf32, #tpu.memory_space<hbm>> -> memref<10240x128xf32, #tpu.memory_space<hbm>>
        %dma_wait3A_201 = tpu.memref_slice %arg16[%rem3A_192] : memref<4x!tpu.dma_semaphore, #tpu.memory_space<semaphore_mem>> -> memref<1x!tpu.dma_semaphore, #tpu.memory_space<semaphore_mem>>
        %dma_wait3A_202 = tpu.memref_squeeze %dma_wait3A_201 : memref<1x!tpu.dma_semaphore, #tpu.memory_space<semaphore_mem>> -> memref<!tpu.dma_semaphore, #tpu.memory_space<semaphore_mem>>
        tpu.wait_indirect_dma semaphore(%dma_wait3A_202 : memref<!tpu.dma_semaphore, #tpu.memory_space<semaphore_mem>>) src(%dma_wait3A_200 : memref<10240x128xf32, #tpu.memory_space<hbm>>) dst(%dma_wait3A_195 : memref<128x128xf32, #tpu.memory_space<vmem>>)
        %add3A_203 = arith.constant 3 : i32
        %add3A_204 = arith.addi %while3A_180, %add3A_203 : i32
        %lt3A = arith.cmpi slt, %add3A_204, %min3A_156 : i32
        %convert_element_type3A_205 = arith.extui %lt3A : i1 to i32
        %cond3A_206 = arith.constant 0 : i32
        %cond3A_207 = arith.cmpi ne, %convert_element_type3A_205, %cond3A_206 : i32
        scf.if %cond3A_207 {
          %add3A_221 = arith.constant 3 : i32
          %add3A_222 = arith.addi %while3A_180, %add3A_221 : i32
          %add3A_223 = arith.constant 3 : i32
          %add3A_224 = arith.addi %while3A_180, %add3A_223 : i32
          %rem3A_225 = arith.constant 4 : i32
          %rem3A_226 = arith.remsi %add3A_224, %rem3A_225 : i32
          %mul3A_227 = arith.constant 128 : i32
          %mul3A_228 = arith.muli %add3A_222, %mul3A_227 : i32
          %dma_start3A = arith.constant 0 : i32
          %dma_start3A_229 = arith.constant 0 : i32
          %dma_start3A_230 = tpu.memref_slice %arg14[%rem3A_226, %dma_start3A, %dma_start3A_229] : memref<4x128x128xf32, #tpu.memory_space<vmem>> -> memref<1x128x128xf32, #tpu.memory_space<vmem>>
          %dma_start3A_231 = tpu.memref_squeeze %dma_start3A_230 : memref<1x128x128xf32, #tpu.memory_space<vmem>> -> memref<128x128xf32, #tpu.memory_space<vmem>>
          %dma_start3A_232 = tpu.memref_slice %arg12[%mul3A_228] : memref<2048xi32, #tpu.memory_space<vmem>> -> memref<128xi32, #tpu.memory_space<vmem>>
          %dma_start3A_233 = arith.constant 0 : i32
          %dma_start3A_234 = arith.constant 0 : i32
          %dma_start3A_235 = tpu.memref_slice %arg2[%dma_start3A_233, %dma_start3A_234] : memref<10240x128xf32, #tpu.memory_space<hbm>> -> memref<10240x128xf32, #tpu.memory_space<hbm>>
          %dma_start3A_236 = tpu.memref_slice %arg16[%rem3A_226] : memref<4x!tpu.dma_semaphore, #tpu.memory_space<semaphore_mem>> -> memref<1x!tpu.dma_semaphore, #tpu.memory_space<semaphore_mem>>
          %dma_start3A_237 = tpu.memref_squeeze %dma_start3A_236 : memref<1x!tpu.dma_semaphore, #tpu.memory_space<semaphore_mem>> -> memref<!tpu.dma_semaphore, #tpu.memory_space<semaphore_mem>>
          tpu.enqueue_indirect_dma source(%dma_start3A_235 : memref<10240x128xf32, #tpu.memory_space<hbm>>) target(%dma_start3A_231 : memref<128x128xf32, #tpu.memory_space<vmem>>) offsets(%dma_start3A_232 : memref<128xi32, #tpu.memory_space<vmem>>) semaphore(%dma_start3A_237 : memref<!tpu.dma_semaphore, #tpu.memory_space<semaphore_mem>>)
        } else {
        }
        %mul3A_208 = arith.constant 128 : i32
        %mul3A_209 = arith.muli %while3A_180, %mul3A_208 : i32
        %add3A_210 = arith.addi %add3A_152, %mul3A_209 : i32
        %sub3A_211 = arith.subi %reduce_max3A_9, %add3A_210 : i32
        %jit3A_212 = arith.constant 0 : i32
        %jit3A_213 = arith.constant 128 : i32
        %max3A = arith.maxsi %jit3A_212, %sub3A_211 : i32
        %min3A_214 = arith.minsi %jit3A_213, %max3A : i32
        %sub3A_215 = arith.subi %reduce_max3A_18, %add3A_210 : i32
        %jit3A_216 = arith.constant 0 : i32
        %jit3A_217 = arith.constant 128 : i32
        %max3A_218 = arith.maxsi %jit3A_216, %sub3A_215 : i32
        %min3A_219 = arith.minsi %jit3A_217, %max3A_218 : i32
        %parallel_loop3A = arith.constant 1 : i32
        %parallel_loop3A_220:10 = scf.for %parallel_loop3A_221 = %min3A_214 to %min3A_219 step %parallel_loop3A iter_args(%parallel_loop3A_222 = %while3A_181, %parallel_loop3A_223 = %while3A_182, %parallel_loop3A_224 = %while3A_183, %parallel_loop3A_225 = %while3A_184, %parallel_loop3A_226 = %while3A_185, %parallel_loop3A_227 = %while3A_186, %parallel_loop3A_228 = %while3A_187, %parallel_loop3A_229 = %while3A_188, %parallel_loop3A_230 = %while3A_189, %parallel_loop3A_231 = %while3A_190) -> (vector<16xi32>, vector<16xi1>, vector<16xf32>, vector<16xf32>, vector<16xf32>, vector<16xf32>, vector<16xf32>, vector<16xf32>, vector<16xf32>, vector<16xf32>)  : i32 {
          %parallel_loop3A_232 = arith.constant 128 : i32
          %parallel_loop3A_233 = arith.muli %while3A_180, %parallel_loop3A_232 : i32
          %parallel_loop3A_234 = arith.addi %parallel_loop3A_233, %parallel_loop3A_221 : i32
          %parallel_loop3A_235 = vector.broadcast %parallel_loop3A_234 : i32 to vector<16xi32>
          %parallel_loop3A_236 = tpu.vector_load_idx %arg13[%parallel_loop3A_235] : memref<2048xi32, #tpu.memory_space<vmem>>[vector<16xi32>], vector<16xi32>,
          %parallel_loop3A_237 = arith.cmpi ne, %parallel_loop3A_236, %parallel_loop3A_222 : vector<16xi32>
          %parallel_loop3A_238 = arith.subi %parallel_loop3A_222, %broadcast_in_dim3A_102 : vector<16xi32>
          %parallel_loop3A_239 = arith.constant 7 : i32
          %parallel_loop3A_240 = vector.broadcast %parallel_loop3A_239 : i32 to vector<16xi32>
          %parallel_loop3A_241 = arith.shli %parallel_loop3A_238, %parallel_loop3A_240 : vector<16xi32>
          %parallel_loop3A_242 = arith.index_cast %rem3A_192 : i32 to index
          %parallel_loop3A_243 = arith.index_cast %parallel_loop3A_221 : i32 to index
          %parallel_loop3A_244 = arith.constant 0 : index
          %parallel_loop3A_245 = tpu.vector_load %arg14[%parallel_loop3A_242, %parallel_loop3A_243, %parallel_loop3A_244] {strides = array<i32>} : memref<4x128x128xf32, #tpu.memory_space<vmem>>, vector<16xf32>,
          %parallel_loop3A_246 = arith.maximumf %parallel_loop3A_224, %parallel_loop3A_245 : vector<16xf32>
          %parallel_loop3A_247 = arith.select %parallel_loop3A_223, %parallel_loop3A_245, %parallel_loop3A_246 : vector<16xi1>, vector<16xf32>
          %parallel_loop3A_248 = arith.addi %parallel_loop3A_241, %add3A_105 : vector<16xi32>
          tpu.vector_store_idx %arg15[%parallel_loop3A_248], %parallel_loop3A_247 masked %parallel_loop3A_237 : memref<40960xf32, #tpu.memory_space<vmem>>[vector<16xi32>], vector<16xf32>, vector<16xi1>
          %parallel_loop3A_249 = arith.index_cast %rem3A_192 : i32 to index
          %parallel_loop3A_250 = arith.index_cast %parallel_loop3A_221 : i32 to index
          %parallel_loop3A_251 = arith.constant 16 : index
          %parallel_loop3A_252 = tpu.vector_load %arg14[%parallel_loop3A_249, %parallel_loop3A_250, %parallel_loop3A_251] {strides = array<i32>} : memref<4x128x128xf32, #tpu.memory_space<vmem>>, vector<16xf32>,
          %parallel_loop3A_253 = arith.maximumf %parallel_loop3A_225, %parallel_loop3A_252 : vector<16xf32>
          %parallel_loop3A_254 = arith.select %parallel_loop3A_223, %parallel_loop3A_252, %parallel_loop3A_253 : vector<16xi1>, vector<16xf32>
          %parallel_loop3A_255 = arith.addi %parallel_loop3A_241, %add3A_108 : vector<16xi32>
          tpu.vector_store_idx %arg15[%parallel_loop3A_255], %parallel_loop3A_254 masked %parallel_loop3A_237 : memref<40960xf32, #tpu.memory_space<vmem>>[vector<16xi32>], vector<16xf32>, vector<16xi1>
          %parallel_loop3A_256 = arith.index_cast %rem3A_192 : i32 to index
          %parallel_loop3A_257 = arith.index_cast %parallel_loop3A_221 : i32 to index
          %parallel_loop3A_258 = arith.constant 32 : index
          %parallel_loop3A_259 = tpu.vector_load %arg14[%parallel_loop3A_256, %parallel_loop3A_257, %parallel_loop3A_258] {strides = array<i32>} : memref<4x128x128xf32, #tpu.memory_space<vmem>>, vector<16xf32>,
          %parallel_loop3A_260 = arith.maximumf %parallel_loop3A_226, %parallel_loop3A_259 : vector<16xf32>
          %parallel_loop3A_261 = arith.select %parallel_loop3A_223, %parallel_loop3A_259, %parallel_loop3A_260 : vector<16xi1>, vector<16xf32>
          %parallel_loop3A_262 = arith.addi %parallel_loop3A_241, %add3A_111 : vector<16xi32>
          tpu.vector_store_idx %arg15[%parallel_loop3A_262], %parallel_loop3A_261 masked %parallel_loop3A_237 : memref<40960xf32, #tpu.memory_space<vmem>>[vector<16xi32>], vector<16xf32>, vector<16xi1>
          %parallel_loop3A_263 = arith.index_cast %rem3A_192 : i32 to index
          %parallel_loop3A_264 = arith.index_cast %parallel_loop3A_221 : i32 to index
          %parallel_loop3A_265 = arith.constant 48 : index
          %parallel_loop3A_266 = tpu.vector_load %arg14[%parallel_loop3A_263, %parallel_loop3A_264, %parallel_loop3A_265] {strides = array<i32>} : memref<4x128x128xf32, #tpu.memory_space<vmem>>, vector<16xf32>,
          %parallel_loop3A_267 = arith.maximumf %parallel_loop3A_227, %parallel_loop3A_266 : vector<16xf32>
          %parallel_loop3A_268 = arith.select %parallel_loop3A_223, %parallel_loop3A_266, %parallel_loop3A_267 : vector<16xi1>, vector<16xf32>
          %parallel_loop3A_269 = arith.addi %parallel_loop3A_241, %add3A_114 : vector<16xi32>
          tpu.vector_store_idx %arg15[%parallel_loop3A_269], %parallel_loop3A_268 masked %parallel_loop3A_237 : memref<40960xf32, #tpu.memory_space<vmem>>[vector<16xi32>], vector<16xf32>, vector<16xi1>
          %parallel_loop3A_270 = arith.index_cast %rem3A_192 : i32 to index
          %parallel_loop3A_271 = arith.index_cast %parallel_loop3A_221 : i32 to index
          %parallel_loop3A_272 = arith.constant 64 : index
          %parallel_loop3A_273 = tpu.vector_load %arg14[%parallel_loop3A_270, %parallel_loop3A_271, %parallel_loop3A_272] {strides = array<i32>} : memref<4x128x128xf32, #tpu.memory_space<vmem>>, vector<16xf32>,
          %parallel_loop3A_274 = arith.maximumf %parallel_loop3A_228, %parallel_loop3A_273 : vector<16xf32>
          %parallel_loop3A_275 = arith.select %parallel_loop3A_223, %parallel_loop3A_273, %parallel_loop3A_274 : vector<16xi1>, vector<16xf32>
          %parallel_loop3A_276 = arith.addi %parallel_loop3A_241, %add3A_117 : vector<16xi32>
          tpu.vector_store_idx %arg15[%parallel_loop3A_276], %parallel_loop3A_275 masked %parallel_loop3A_237 : memref<40960xf32, #tpu.memory_space<vmem>>[vector<16xi32>], vector<16xf32>, vector<16xi1>
          %parallel_loop3A_277 = arith.index_cast %rem3A_192 : i32 to index
          %parallel_loop3A_278 = arith.index_cast %parallel_loop3A_221 : i32 to index
          %parallel_loop3A_279 = arith.constant 80 : index
          %parallel_loop3A_280 = tpu.vector_load %arg14[%parallel_loop3A_277, %parallel_loop3A_278, %parallel_loop3A_279] {strides = array<i32>} : memref<4x128x128xf32, #tpu.memory_space<vmem>>, vector<16xf32>,
          %parallel_loop3A_281 = arith.maximumf %parallel_loop3A_229, %parallel_loop3A_280 : vector<16xf32>
          %parallel_loop3A_282 = arith.select %parallel_loop3A_223, %parallel_loop3A_280, %parallel_loop3A_281 : vector<16xi1>, vector<16xf32>
          %parallel_loop3A_283 = arith.addi %parallel_loop3A_241, %add3A_120 : vector<16xi32>
          tpu.vector_store_idx %arg15[%parallel_loop3A_283], %parallel_loop3A_282 masked %parallel_loop3A_237 : memref<40960xf32, #tpu.memory_space<vmem>>[vector<16xi32>], vector<16xf32>, vector<16xi1>
          %parallel_loop3A_284 = arith.index_cast %rem3A_192 : i32 to index
          %parallel_loop3A_285 = arith.index_cast %parallel_loop3A_221 : i32 to index
          %parallel_loop3A_286 = arith.constant 96 : index
          %parallel_loop3A_287 = tpu.vector_load %arg14[%parallel_loop3A_284, %parallel_loop3A_285, %parallel_loop3A_286] {strides = array<i32>} : memref<4x128x128xf32, #tpu.memory_space<vmem>>, vector<16xf32>,
          %parallel_loop3A_288 = arith.maximumf %parallel_loop3A_230, %parallel_loop3A_287 : vector<16xf32>
          %parallel_loop3A_289 = arith.select %parallel_loop3A_223, %parallel_loop3A_287, %parallel_loop3A_288 : vector<16xi1>, vector<16xf32>
          %parallel_loop3A_290 = arith.addi %parallel_loop3A_241, %add3A_123 : vector<16xi32>
          tpu.vector_store_idx %arg15[%parallel_loop3A_290], %parallel_loop3A_289 masked %parallel_loop3A_237 : memref<40960xf32, #tpu.memory_space<vmem>>[vector<16xi32>], vector<16xf32>, vector<16xi1>
          %parallel_loop3A_291 = arith.index_cast %rem3A_192 : i32 to index
          %parallel_loop3A_292 = arith.index_cast %parallel_loop3A_221 : i32 to index
          %parallel_loop3A_293 = arith.constant 112 : index
          %parallel_loop3A_294 = tpu.vector_load %arg14[%parallel_loop3A_291, %parallel_loop3A_292, %parallel_loop3A_293] {strides = array<i32>} : memref<4x128x128xf32, #tpu.memory_space<vmem>>, vector<16xf32>,
          %parallel_loop3A_295 = arith.maximumf %parallel_loop3A_231, %parallel_loop3A_294 : vector<16xf32>
          %parallel_loop3A_296 = arith.select %parallel_loop3A_223, %parallel_loop3A_294, %parallel_loop3A_295 : vector<16xi1>, vector<16xf32>
          %parallel_loop3A_297 = arith.addi %parallel_loop3A_241, %add3A_126 : vector<16xi32>
          tpu.vector_store_idx %arg15[%parallel_loop3A_297], %parallel_loop3A_296 masked %parallel_loop3A_237 : memref<40960xf32, #tpu.memory_space<vmem>>[vector<16xi32>], vector<16xf32>, vector<16xi1>
          scf.yield %parallel_loop3A_236, %parallel_loop3A_237, %parallel_loop3A_247, %parallel_loop3A_254, %parallel_loop3A_261, %parallel_loop3A_268, %parallel_loop3A_275, %parallel_loop3A_282, %parallel_loop3A_289, %parallel_loop3A_296 : vector<16xi32>, vector<16xi1>, vector<16xf32>, vector<16xf32>, vector<16xf32>, vector<16xf32>, vector<16xf32>, vector<16xf32>, vector<16xf32>, vector<16xf32>
        } {sc.loop_unroll_factor = 8 : i64, sc.parallel_access}
        scf.yield %parallel_loop3A_220#0, %parallel_loop3A_220#1, %parallel_loop3A_220#2, %parallel_loop3A_220#3, %parallel_loop3A_220#4, %parallel_loop3A_220#5, %parallel_loop3A_220#6, %parallel_loop3A_220#7, %parallel_loop3A_220#8, %parallel_loop3A_220#9 : vector<16xi32>, vector<16xi1>, vector<16xf32>, vector<16xf32>, vector<16xf32>, vector<16xf32>, vector<16xf32>, vector<16xf32>, vector<16xf32>, vector<16xf32>
      }
      %while3A_178 = arith.constant 1 : i32
      %while3A_179:10 = scf.for %while3A_180 = %while3A_175 to %while3A_171 step %while3A_178 iter_args(%while3A_181 = %while3A_177#0, %while3A_182 = %while3A_177#1, %while3A_183 = %while3A_177#2, %while3A_184 = %while3A_177#3, %while3A_185 = %while3A_177#4, %while3A_186 = %while3A_177#5, %while3A_187 = %while3A_177#6, %while3A_188 = %while3A_177#7, %while3A_189 = %while3A_177#8, %while3A_190 = %while3A_177#9) -> (vector<16xi32>, vector<16xi1>, vector<16xf32>, vector<16xf32>, vector<16xf32>, vector<16xf32>, vector<16xf32>, vector<16xf32>, vector<16xf32>, vector<16xf32>)  : i32 {
        %rem3A_191 = arith.constant 4 : i32
        %rem3A_192 = arith.remsi %while3A_180, %rem3A_191 : i32
        %dma_wait3A = arith.constant 0 : i32
        %dma_wait3A_193 = arith.constant 0 : i32
        %dma_wait3A_194 = tpu.memref_slice %arg14[%rem3A_192, %dma_wait3A, %dma_wait3A_193] : memref<4x128x128xf32, #tpu.memory_space<vmem>> -> memref<1x128x128xf32, #tpu.memory_space<vmem>>
        %dma_wait3A_195 = tpu.memref_squeeze %dma_wait3A_194 : memref<1x128x128xf32, #tpu.memory_space<vmem>> -> memref<128x128xf32, #tpu.memory_space<vmem>>
        %dma_wait3A_196 = arith.constant 0 : i32
        %dma_wait3A_197 = tpu.memref_slice %arg12[%dma_wait3A_196] : memref<2048xi32, #tpu.memory_space<vmem>> -> memref<128xi32, #tpu.memory_space<vmem>>
        %dma_wait3A_198 = arith.constant 0 : i32
        %dma_wait3A_199 = arith.constant 0 : i32
        %dma_wait3A_200 = tpu.memref_slice %arg2[%dma_wait3A_198, %dma_wait3A_199] : memref<10240x128xf32, #tpu.memory_space<hbm>> -> memref<10240x128xf32, #tpu.memory_space<hbm>>
        %dma_wait3A_201 = tpu.memref_slice %arg16[%rem3A_192] : memref<4x!tpu.dma_semaphore, #tpu.memory_space<semaphore_mem>> -> memref<1x!tpu.dma_semaphore, #tpu.memory_space<semaphore_mem>>
        %dma_wait3A_202 = tpu.memref_squeeze %dma_wait3A_201 : memref<1x!tpu.dma_semaphore, #tpu.memory_space<semaphore_mem>> -> memref<!tpu.dma_semaphore, #tpu.memory_space<semaphore_mem>>
        tpu.wait_indirect_dma semaphore(%dma_wait3A_202 : memref<!tpu.dma_semaphore, #tpu.memory_space<semaphore_mem>>) src(%dma_wait3A_200 : memref<10240x128xf32, #tpu.memory_space<hbm>>) dst(%dma_wait3A_195 : memref<128x128xf32, #tpu.memory_space<vmem>>)
        %add3A_203 = arith.constant 3 : i32
        %add3A_204 = arith.addi %while3A_180, %add3A_203 : i32
        %lt3A = arith.cmpi slt, %add3A_204, %min3A_156 : i32
        %convert_element_type3A_205 = arith.extui %lt3A : i1 to i32
        %cond3A_206 = arith.constant 0 : i32
        %cond3A_207 = arith.cmpi ne, %convert_element_type3A_205, %cond3A_206 : i32
        scf.if %cond3A_207 {
          %add3A_221 = arith.constant 3 : i32
          %add3A_222 = arith.addi %while3A_180, %add3A_221 : i32
          %add3A_223 = arith.constant 3 : i32
          %add3A_224 = arith.addi %while3A_180, %add3A_223 : i32
          %rem3A_225 = arith.constant 4 : i32
          %rem3A_226 = arith.remsi %add3A_224, %rem3A_225 : i32
          %mul3A_227 = arith.constant 128 : i32
          %mul3A_228 = arith.muli %add3A_222, %mul3A_227 : i32
          %dma_start3A = arith.constant 0 : i32
          %dma_start3A_229 = arith.constant 0 : i32
          %dma_start3A_230 = tpu.memref_slice %arg14[%rem3A_226, %dma_start3A, %dma_start3A_229] : memref<4x128x128xf32, #tpu.memory_space<vmem>> -> memref<1x128x128xf32, #tpu.memory_space<vmem>>
          %dma_start3A_231 = tpu.memref_squeeze %dma_start3A_230 : memref<1x128x128xf32, #tpu.memory_space<vmem>> -> memref<128x128xf32, #tpu.memory_space<vmem>>
          %dma_start3A_232 = tpu.memref_slice %arg12[%mul3A_228] : memref<2048xi32, #tpu.memory_space<vmem>> -> memref<128xi32, #tpu.memory_space<vmem>>
          %dma_start3A_233 = arith.constant 0 : i32
          %dma_start3A_234 = arith.constant 0 : i32
          %dma_start3A_235 = tpu.memref_slice %arg2[%dma_start3A_233, %dma_start3A_234] : memref<10240x128xf32, #tpu.memory_space<hbm>> -> memref<10240x128xf32, #tpu.memory_space<hbm>>
          %dma_start3A_236 = tpu.memref_slice %arg16[%rem3A_226] : memref<4x!tpu.dma_semaphore, #tpu.memory_space<semaphore_mem>> -> memref<1x!tpu.dma_semaphore, #tpu.memory_space<semaphore_mem>>
          %dma_start3A_237 = tpu.memref_squeeze %dma_start3A_236 : memref<1x!tpu.dma_semaphore, #tpu.memory_space<semaphore_mem>> -> memref<!tpu.dma_semaphore, #tpu.memory_space<semaphore_mem>>
          tpu.enqueue_indirect_dma source(%dma_start3A_235 : memref<10240x128xf32, #tpu.memory_space<hbm>>) target(%dma_start3A_231 : memref<128x128xf32, #tpu.memory_space<vmem>>) offsets(%dma_start3A_232 : memref<128xi32, #tpu.memory_space<vmem>>) semaphore(%dma_start3A_237 : memref<!tpu.dma_semaphore, #tpu.memory_space<semaphore_mem>>)
        } else {
        }
        %mul3A_208 = arith.constant 128 : i32
        %mul3A_209 = arith.muli %while3A_180, %mul3A_208 : i32
        %add3A_210 = arith.addi %add3A_152, %mul3A_209 : i32
        %sub3A_211 = arith.subi %reduce_max3A_9, %add3A_210 : i32
        %jit3A_212 = arith.constant 0 : i32
        %jit3A_213 = arith.constant 128 : i32
        %max3A = arith.maxsi %jit3A_212, %sub3A_211 : i32
        %min3A_214 = arith.minsi %jit3A_213, %max3A : i32
        %sub3A_215 = arith.subi %reduce_max3A_18, %add3A_210 : i32
        %jit3A_216 = arith.constant 0 : i32
        %jit3A_217 = arith.constant 128 : i32
        %max3A_218 = arith.maxsi %jit3A_216, %sub3A_215 : i32
        %min3A_219 = arith.minsi %jit3A_217, %max3A_218 : i32
        %parallel_loop3A = arith.constant 1 : i32
        %parallel_loop3A_220:10 = scf.for %parallel_loop3A_221 = %min3A_214 to %min3A_219 step %parallel_loop3A iter_args(%parallel_loop3A_222 = %while3A_181, %parallel_loop3A_223 = %while3A_182, %parallel_loop3A_224 = %while3A_183, %parallel_loop3A_225 = %while3A_184, %parallel_loop3A_226 = %while3A_185, %parallel_loop3A_227 = %while3A_186, %parallel_loop3A_228 = %while3A_187, %parallel_loop3A_229 = %while3A_188, %parallel_loop3A_230 = %while3A_189, %parallel_loop3A_231 = %while3A_190) -> (vector<16xi32>, vector<16xi1>, vector<16xf32>, vector<16xf32>, vector<16xf32>, vector<16xf32>, vector<16xf32>, vector<16xf32>, vector<16xf32>, vector<16xf32>)  : i32 {
          %parallel_loop3A_232 = arith.constant 128 : i32
          %parallel_loop3A_233 = arith.muli %while3A_180, %parallel_loop3A_232 : i32
          %parallel_loop3A_234 = arith.addi %parallel_loop3A_233, %parallel_loop3A_221 : i32
          %parallel_loop3A_235 = vector.broadcast %parallel_loop3A_234 : i32 to vector<16xi32>
          %parallel_loop3A_236 = tpu.vector_load_idx %arg13[%parallel_loop3A_235] : memref<2048xi32, #tpu.memory_space<vmem>>[vector<16xi32>], vector<16xi32>,
          %parallel_loop3A_237 = arith.cmpi ne, %parallel_loop3A_236, %parallel_loop3A_222 : vector<16xi32>
          %parallel_loop3A_238 = arith.subi %parallel_loop3A_222, %broadcast_in_dim3A_102 : vector<16xi32>
          %parallel_loop3A_239 = arith.constant 7 : i32
          %parallel_loop3A_240 = vector.broadcast %parallel_loop3A_239 : i32 to vector<16xi32>
          %parallel_loop3A_241 = arith.shli %parallel_loop3A_238, %parallel_loop3A_240 : vector<16xi32>
          %parallel_loop3A_242 = arith.index_cast %rem3A_192 : i32 to index
          %parallel_loop3A_243 = arith.index_cast %parallel_loop3A_221 : i32 to index
          %parallel_loop3A_244 = arith.constant 0 : index
          %parallel_loop3A_245 = tpu.vector_load %arg14[%parallel_loop3A_242, %parallel_loop3A_243, %parallel_loop3A_244] {strides = array<i32>} : memref<4x128x128xf32, #tpu.memory_space<vmem>>, vector<16xf32>,
          %parallel_loop3A_246 = arith.maximumf %parallel_loop3A_224, %parallel_loop3A_245 : vector<16xf32>
          %parallel_loop3A_247 = arith.select %parallel_loop3A_223, %parallel_loop3A_245, %parallel_loop3A_246 : vector<16xi1>, vector<16xf32>
          %parallel_loop3A_248 = arith.addi %parallel_loop3A_241, %add3A_105 : vector<16xi32>
          tpu.vector_store_idx %arg15[%parallel_loop3A_248], %parallel_loop3A_247 masked %parallel_loop3A_237 : memref<40960xf32, #tpu.memory_space<vmem>>[vector<16xi32>], vector<16xf32>, vector<16xi1>
          %parallel_loop3A_249 = arith.index_cast %rem3A_192 : i32 to index
          %parallel_loop3A_250 = arith.index_cast %parallel_loop3A_221 : i32 to index
          %parallel_loop3A_251 = arith.constant 16 : index
          %parallel_loop3A_252 = tpu.vector_load %arg14[%parallel_loop3A_249, %parallel_loop3A_250, %parallel_loop3A_251] {strides = array<i32>} : memref<4x128x128xf32, #tpu.memory_space<vmem>>, vector<16xf32>,
          %parallel_loop3A_253 = arith.maximumf %parallel_loop3A_225, %parallel_loop3A_252 : vector<16xf32>
          %parallel_loop3A_254 = arith.select %parallel_loop3A_223, %parallel_loop3A_252, %parallel_loop3A_253 : vector<16xi1>, vector<16xf32>
          %parallel_loop3A_255 = arith.addi %parallel_loop3A_241, %add3A_108 : vector<16xi32>
          tpu.vector_store_idx %arg15[%parallel_loop3A_255], %parallel_loop3A_254 masked %parallel_loop3A_237 : memref<40960xf32, #tpu.memory_space<vmem>>[vector<16xi32>], vector<16xf32>, vector<16xi1>
          %parallel_loop3A_256 = arith.index_cast %rem3A_192 : i32 to index
          %parallel_loop3A_257 = arith.index_cast %parallel_loop3A_221 : i32 to index
          %parallel_loop3A_258 = arith.constant 32 : index
          %parallel_loop3A_259 = tpu.vector_load %arg14[%parallel_loop3A_256, %parallel_loop3A_257, %parallel_loop3A_258] {strides = array<i32>} : memref<4x128x128xf32, #tpu.memory_space<vmem>>, vector<16xf32>,
          %parallel_loop3A_260 = arith.maximumf %parallel_loop3A_226, %parallel_loop3A_259 : vector<16xf32>
          %parallel_loop3A_261 = arith.select %parallel_loop3A_223, %parallel_loop3A_259, %parallel_loop3A_260 : vector<16xi1>, vector<16xf32>
          %parallel_loop3A_262 = arith.addi %parallel_loop3A_241, %add3A_111 : vector<16xi32>
          tpu.vector_store_idx %arg15[%parallel_loop3A_262], %parallel_loop3A_261 masked %parallel_loop3A_237 : memref<40960xf32, #tpu.memory_space<vmem>>[vector<16xi32>], vector<16xf32>, vector<16xi1>
          %parallel_loop3A_263 = arith.index_cast %rem3A_192 : i32 to index
          %parallel_loop3A_264 = arith.index_cast %parallel_loop3A_221 : i32 to index
          %parallel_loop3A_265 = arith.constant 48 : index
          %parallel_loop3A_266 = tpu.vector_load %arg14[%parallel_loop3A_263, %parallel_loop3A_264, %parallel_loop3A_265] {strides = array<i32>} : memref<4x128x128xf32, #tpu.memory_space<vmem>>, vector<16xf32>,
          %parallel_loop3A_267 = arith.maximumf %parallel_loop3A_227, %parallel_loop3A_266 : vector<16xf32>
          %parallel_loop3A_268 = arith.select %parallel_loop3A_223, %parallel_loop3A_266, %parallel_loop3A_267 : vector<16xi1>, vector<16xf32>
          %parallel_loop3A_269 = arith.addi %parallel_loop3A_241, %add3A_114 : vector<16xi32>
          tpu.vector_store_idx %arg15[%parallel_loop3A_269], %parallel_loop3A_268 masked %parallel_loop3A_237 : memref<40960xf32, #tpu.memory_space<vmem>>[vector<16xi32>], vector<16xf32>, vector<16xi1>
          %parallel_loop3A_270 = arith.index_cast %rem3A_192 : i32 to index
          %parallel_loop3A_271 = arith.index_cast %parallel_loop3A_221 : i32 to index
          %parallel_loop3A_272 = arith.constant 64 : index
          %parallel_loop3A_273 = tpu.vector_load %arg14[%parallel_loop3A_270, %parallel_loop3A_271, %parallel_loop3A_272] {strides = array<i32>} : memref<4x128x128xf32, #tpu.memory_space<vmem>>, vector<16xf32>,
          %parallel_loop3A_274 = arith.maximumf %parallel_loop3A_228, %parallel_loop3A_273 : vector<16xf32>
          %parallel_loop3A_275 = arith.select %parallel_loop3A_223, %parallel_loop3A_273, %parallel_loop3A_274 : vector<16xi1>, vector<16xf32>
          %parallel_loop3A_276 = arith.addi %parallel_loop3A_241, %add3A_117 : vector<16xi32>
          tpu.vector_store_idx %arg15[%parallel_loop3A_276], %parallel_loop3A_275 masked %parallel_loop3A_237 : memref<40960xf32, #tpu.memory_space<vmem>>[vector<16xi32>], vector<16xf32>, vector<16xi1>
          %parallel_loop3A_277 = arith.index_cast %rem3A_192 : i32 to index
          %parallel_loop3A_278 = arith.index_cast %parallel_loop3A_221 : i32 to index
          %parallel_loop3A_279 = arith.constant 80 : index
          %parallel_loop3A_280 = tpu.vector_load %arg14[%parallel_loop3A_277, %parallel_loop3A_278, %parallel_loop3A_279] {strides = array<i32>} : memref<4x128x128xf32, #tpu.memory_space<vmem>>, vector<16xf32>,
          %parallel_loop3A_281 = arith.maximumf %parallel_loop3A_229, %parallel_loop3A_280 : vector<16xf32>
          %parallel_loop3A_282 = arith.select %parallel_loop3A_223, %parallel_loop3A_280, %parallel_loop3A_281 : vector<16xi1>, vector<16xf32>
          %parallel_loop3A_283 = arith.addi %parallel_loop3A_241, %add3A_120 : vector<16xi32>
          tpu.vector_store_idx %arg15[%parallel_loop3A_283], %parallel_loop3A_282 masked %parallel_loop3A_237 : memref<40960xf32, #tpu.memory_space<vmem>>[vector<16xi32>], vector<16xf32>, vector<16xi1>
          %parallel_loop3A_284 = arith.index_cast %rem3A_192 : i32 to index
          %parallel_loop3A_285 = arith.index_cast %parallel_loop3A_221 : i32 to index
          %parallel_loop3A_286 = arith.constant 96 : index
          %parallel_loop3A_287 = tpu.vector_load %arg14[%parallel_loop3A_284, %parallel_loop3A_285, %parallel_loop3A_286] {strides = array<i32>} : memref<4x128x128xf32, #tpu.memory_space<vmem>>, vector<16xf32>,
          %parallel_loop3A_288 = arith.maximumf %parallel_loop3A_230, %parallel_loop3A_287 : vector<16xf32>
          %parallel_loop3A_289 = arith.select %parallel_loop3A_223, %parallel_loop3A_287, %parallel_loop3A_288 : vector<16xi1>, vector<16xf32>
          %parallel_loop3A_290 = arith.addi %parallel_loop3A_241, %add3A_123 : vector<16xi32>
          tpu.vector_store_idx %arg15[%parallel_loop3A_290], %parallel_loop3A_289 masked %parallel_loop3A_237 : memref<40960xf32, #tpu.memory_space<vmem>>[vector<16xi32>], vector<16xf32>, vector<16xi1>
          %parallel_loop3A_291 = arith.index_cast %rem3A_192 : i32 to index
          %parallel_loop3A_292 = arith.index_cast %parallel_loop3A_221 : i32 to index
          %parallel_loop3A_293 = arith.constant 112 : index
          %parallel_loop3A_294 = tpu.vector_load %arg14[%parallel_loop3A_291, %parallel_loop3A_292, %parallel_loop3A_293] {strides = array<i32>} : memref<4x128x128xf32, #tpu.memory_space<vmem>>, vector<16xf32>,
          %parallel_loop3A_295 = arith.maximumf %parallel_loop3A_231, %parallel_loop3A_294 : vector<16xf32>
          %parallel_loop3A_296 = arith.select %parallel_loop3A_223, %parallel_loop3A_294, %parallel_loop3A_295 : vector<16xi1>, vector<16xf32>
          %parallel_loop3A_297 = arith.addi %parallel_loop3A_241, %add3A_126 : vector<16xi32>
          tpu.vector_store_idx %arg15[%parallel_loop3A_297], %parallel_loop3A_296 masked %parallel_loop3A_237 : memref<40960xf32, #tpu.memory_space<vmem>>[vector<16xi32>], vector<16xf32>, vector<16xi1>
          scf.yield %parallel_loop3A_236, %parallel_loop3A_237, %parallel_loop3A_247, %parallel_loop3A_254, %parallel_loop3A_261, %parallel_loop3A_268, %parallel_loop3A_275, %parallel_loop3A_282, %parallel_loop3A_289, %parallel_loop3A_296 : vector<16xi32>, vector<16xi1>, vector<16xf32>, vector<16xf32>, vector<16xf32>, vector<16xf32>, vector<16xf32>, vector<16xf32>, vector<16xf32>, vector<16xf32>
        } {sc.loop_unroll_factor = 8 : i64, sc.parallel_access}
        scf.yield %parallel_loop3A_220#0, %parallel_loop3A_220#1, %parallel_loop3A_220#2, %parallel_loop3A_220#3, %parallel_loop3A_220#4, %parallel_loop3A_220#5, %parallel_loop3A_220#6, %parallel_loop3A_220#7, %parallel_loop3A_220#8, %parallel_loop3A_220#9 : vector<16xi32>, vector<16xi1>, vector<16xf32>, vector<16xf32>, vector<16xf32>, vector<16xf32>, vector<16xf32>, vector<16xf32>, vector<16xf32>, vector<16xf32>
      }
      scf.yield %while3A_179#0, %while3A_179#1, %while3A_179#2, %while3A_179#3, %while3A_179#4, %while3A_179#5, %while3A_179#6, %while3A_179#7, %while3A_179#8, %while3A_179#9 : vector<16xi32>, vector<16xi1>, vector<16xf32>, vector<16xf32>, vector<16xf32>, vector<16xf32>, vector<16xf32>, vector<16xf32>, vector<16xf32>, vector<16xf32>
    }
    %while3A_135 = arith.constant 1 : i32
    %while3A_136:10 = scf.for %while3A_139 = %while3A_132 to %while3A_128 step %while3A_135 iter_args(%while3A_140 = %while3A_134#0, %while3A_141 = %while3A_134#1, %while3A_142 = %while3A_134#2, %while3A_143 = %while3A_134#3, %while3A_144 = %while3A_134#4, %while3A_145 = %while3A_134#5, %while3A_146 = %while3A_134#6, %while3A_147 = %while3A_134#7, %while3A_148 = %while3A_134#8, %while3A_149 = %while3A_134#9) -> (vector<16xi32>, vector<16xi1>, vector<16xf32>, vector<16xf32>, vector<16xf32>, vector<16xf32>, vector<16xf32>, vector<16xf32>, vector<16xf32>, vector<16xf32>)  : i32 {
      %mul3A_150 = arith.constant 2048 : i32
      %mul3A_151 = arith.muli %while3A_139, %mul3A_150 : i32
      %add3A_152 = arith.addi %mul3A_37, %mul3A_151 : i32
      "tpu.region"() ({
        %run_scoped3A = tpu.sem_alloc : memref<!tpu.dma_semaphore, #tpu.memory_space<semaphore_mem>>
        %dma_start3A = tpu.memref_slice %arg3[%add3A_152] : memref<324096xi32, #tpu.memory_space<hbm>> -> memref<2048xi32, #tpu.memory_space<hbm>>
        %dma_start3A_180 = tpu.memref_slice %arg3[%add3A_152] : memref<324096xi32, #tpu.memory_space<hbm>> -> memref<2048xi32, #tpu.memory_space<hbm>>
        tpu.enqueue_dma source(%dma_start3A_180 : memref<2048xi32, #tpu.memory_space<hbm>>) target(%arg12 : memref<2048xi32, #tpu.memory_space<vmem>>) target_semaphore(%run_scoped3A : memref<!tpu.dma_semaphore, #tpu.memory_space<semaphore_mem>>)
        %dma_wait3A = tpu.memref_slice %arg3[%add3A_152] : memref<324096xi32, #tpu.memory_space<hbm>> -> memref<2048xi32, #tpu.memory_space<hbm>>
        %dma_wait3A_181 = tpu.memref_slice %arg3[%add3A_152] : memref<324096xi32, #tpu.memory_space<hbm>> -> memref<2048xi32, #tpu.memory_space<hbm>>
        tpu.wait_dma2 semaphore(%run_scoped3A : memref<!tpu.dma_semaphore, #tpu.memory_space<semaphore_mem>>) src(%dma_wait3A_181 : memref<2048xi32, #tpu.memory_space<hbm>>) dst(%arg12 : memref<2048xi32, #tpu.memory_space<vmem>>)
        tpu.yield
      }) : () -> ()
      "tpu.region"() ({
        %run_scoped3A = tpu.sem_alloc : memref<!tpu.dma_semaphore, #tpu.memory_space<semaphore_mem>>
        %dma_start3A = tpu.memref_slice %arg4[%add3A_152] : memref<324096xi32, #tpu.memory_space<hbm>> -> memref<2048xi32, #tpu.memory_space<hbm>>
        %dma_start3A_180 = tpu.memref_slice %arg4[%add3A_152] : memref<324096xi32, #tpu.memory_space<hbm>> -> memref<2048xi32, #tpu.memory_space<hbm>>
        tpu.enqueue_dma source(%dma_start3A_180 : memref<2048xi32, #tpu.memory_space<hbm>>) target(%arg13 : memref<2048xi32, #tpu.memory_space<vmem>>) target_semaphore(%run_scoped3A : memref<!tpu.dma_semaphore, #tpu.memory_space<semaphore_mem>>)
        %dma_wait3A = tpu.memref_slice %arg4[%add3A_152] : memref<324096xi32, #tpu.memory_space<hbm>> -> memref<2048xi32, #tpu.memory_space<hbm>>
        %dma_wait3A_181 = tpu.memref_slice %arg4[%add3A_152] : memref<324096xi32, #tpu.memory_space<hbm>> -> memref<2048xi32, #tpu.memory_space<hbm>>
        tpu.wait_dma2 semaphore(%run_scoped3A : memref<!tpu.dma_semaphore, #tpu.memory_space<semaphore_mem>>) src(%dma_wait3A_181 : memref<2048xi32, #tpu.memory_space<hbm>>) dst(%arg13 : memref<2048xi32, #tpu.memory_space<vmem>>)
        tpu.yield
      }) : () -> ()
      %mul3A_153 = arith.constant 16 : i32
      %mul3A_154 = arith.muli %while3A_139, %mul3A_153 : i32
      %sub3A_155 = arith.subi %select_n3A_66, %mul3A_154 : i32
      %min3A = arith.constant 16 : i32
      %min3A_156 = arith.minsi %sub3A_155, %min3A : i32
      %gt3A = arith.constant 0 : i32
      %gt3A_157 = arith.cmpi sgt, %min3A_156, %gt3A : i32
      %convert_element_type3A = arith.extui %gt3A_157 : i1 to i32
      %cond3A = arith.constant 0 : i32
      %cond3A_158 = arith.cmpi ne, %convert_element_type3A, %cond3A : i32
      scf.if %cond3A_158 {
        %dma_start3A = arith.constant 0 : i32
        %dma_start3A_180 = arith.constant 0 : i32
        %dma_start3A_181 = arith.constant 0 : i32
        %dma_start3A_182 = arith.constant 0 : i32
        %dma_start3A_183 = tpu.memref_slice %arg14[%dma_start3A, %dma_start3A_181, %dma_start3A_182] : memref<4x128x128xf32, #tpu.memory_space<vmem>> -> memref<1x128x128xf32, #tpu.memory_space<vmem>>
        %dma_start3A_184 = tpu.memref_squeeze %dma_start3A_183 : memref<1x128x128xf32, #tpu.memory_space<vmem>> -> memref<128x128xf32, #tpu.memory_space<vmem>>
        %dma_start3A_185 = arith.constant 0 : i32
        %dma_start3A_186 = tpu.memref_slice %arg12[%dma_start3A_185] : memref<2048xi32, #tpu.memory_space<vmem>> -> memref<128xi32, #tpu.memory_space<vmem>>
        %dma_start3A_187 = arith.constant 0 : i32
        %dma_start3A_188 = arith.constant 0 : i32
        %dma_start3A_189 = tpu.memref_slice %arg2[%dma_start3A_187, %dma_start3A_188] : memref<10240x128xf32, #tpu.memory_space<hbm>> -> memref<10240x128xf32, #tpu.memory_space<hbm>>
        %dma_start3A_190 = tpu.memref_slice %arg16[%dma_start3A_180] : memref<4x!tpu.dma_semaphore, #tpu.memory_space<semaphore_mem>> -> memref<1x!tpu.dma_semaphore, #tpu.memory_space<semaphore_mem>>
        %dma_start3A_191 = tpu.memref_squeeze %dma_start3A_190 : memref<1x!tpu.dma_semaphore, #tpu.memory_space<semaphore_mem>> -> memref<!tpu.dma_semaphore, #tpu.memory_space<semaphore_mem>>
        tpu.enqueue_indirect_dma source(%dma_start3A_189 : memref<10240x128xf32, #tpu.memory_space<hbm>>) target(%dma_start3A_184 : memref<128x128xf32, #tpu.memory_space<vmem>>) offsets(%dma_start3A_186 : memref<128xi32, #tpu.memory_space<vmem>>) semaphore(%dma_start3A_191 : memref<!tpu.dma_semaphore, #tpu.memory_space<semaphore_mem>>)
      } else {
      }
      %gt3A_159 = arith.constant 1 : i32
      %gt3A_160 = arith.cmpi sgt, %min3A_156, %gt3A_159 : i32
      %convert_element_type3A_161 = arith.extui %gt3A_160 : i1 to i32
      %cond3A_162 = arith.constant 0 : i32
      %cond3A_163 = arith.cmpi ne, %convert_element_type3A_161, %cond3A_162 : i32
      scf.if %cond3A_163 {
        %dma_start3A = arith.constant 1 : i32
        %dma_start3A_180 = arith.constant 1 : i32
        %dma_start3A_181 = arith.constant 0 : i32
        %dma_start3A_182 = arith.constant 0 : i32
        %dma_start3A_183 = tpu.memref_slice %arg14[%dma_start3A, %dma_start3A_181, %dma_start3A_182] : memref<4x128x128xf32, #tpu.memory_space<vmem>> -> memref<1x128x128xf32, #tpu.memory_space<vmem>>
        %dma_start3A_184 = tpu.memref_squeeze %dma_start3A_183 : memref<1x128x128xf32, #tpu.memory_space<vmem>> -> memref<128x128xf32, #tpu.memory_space<vmem>>
        %dma_start3A_185 = arith.constant 128 : i32
        %dma_start3A_186 = tpu.memref_slice %arg12[%dma_start3A_185] : memref<2048xi32, #tpu.memory_space<vmem>> -> memref<128xi32, #tpu.memory_space<vmem>>
        %dma_start3A_187 = arith.constant 0 : i32
        %dma_start3A_188 = arith.constant 0 : i32
        %dma_start3A_189 = tpu.memref_slice %arg2[%dma_start3A_187, %dma_start3A_188] : memref<10240x128xf32, #tpu.memory_space<hbm>> -> memref<10240x128xf32, #tpu.memory_space<hbm>>
        %dma_start3A_190 = tpu.memref_slice %arg16[%dma_start3A_180] : memref<4x!tpu.dma_semaphore, #tpu.memory_space<semaphore_mem>> -> memref<1x!tpu.dma_semaphore, #tpu.memory_space<semaphore_mem>>
        %dma_start3A_191 = tpu.memref_squeeze %dma_start3A_190 : memref<1x!tpu.dma_semaphore, #tpu.memory_space<semaphore_mem>> -> memref<!tpu.dma_semaphore, #tpu.memory_space<semaphore_mem>>
        tpu.enqueue_indirect_dma source(%dma_start3A_189 : memref<10240x128xf32, #tpu.memory_space<hbm>>) target(%dma_start3A_184 : memref<128x128xf32, #tpu.memory_space<vmem>>) offsets(%dma_start3A_186 : memref<128xi32, #tpu.memory_space<vmem>>) semaphore(%dma_start3A_191 : memref<!tpu.dma_semaphore, #tpu.memory_space<semaphore_mem>>)
      } else {
      }
      %gt3A_164 = arith.constant 2 : i32
      %gt3A_165 = arith.cmpi sgt, %min3A_156, %gt3A_164 : i32
      %convert_element_type3A_166 = arith.extui %gt3A_165 : i1 to i32
      %cond3A_167 = arith.constant 0 : i32
      %cond3A_168 = arith.cmpi ne, %convert_element_type3A_166, %cond3A_167 : i32
      scf.if %cond3A_168 {
        %dma_start3A = arith.constant 2 : i32
        %dma_start3A_180 = arith.constant 2 : i32
        %dma_start3A_181 = arith.constant 0 : i32
        %dma_start3A_182 = arith.constant 0 : i32
        %dma_start3A_183 = tpu.memref_slice %arg14[%dma_start3A, %dma_start3A_181, %dma_start3A_182] : memref<4x128x128xf32, #tpu.memory_space<vmem>> -> memref<1x128x128xf32, #tpu.memory_space<vmem>>
        %dma_start3A_184 = tpu.memref_squeeze %dma_start3A_183 : memref<1x128x128xf32, #tpu.memory_space<vmem>> -> memref<128x128xf32, #tpu.memory_space<vmem>>
        %dma_start3A_185 = arith.constant 256 : i32
        %dma_start3A_186 = tpu.memref_slice %arg12[%dma_start3A_185] : memref<2048xi32, #tpu.memory_space<vmem>> -> memref<128xi32, #tpu.memory_space<vmem>>
        %dma_start3A_187 = arith.constant 0 : i32
        %dma_start3A_188 = arith.constant 0 : i32
        %dma_start3A_189 = tpu.memref_slice %arg2[%dma_start3A_187, %dma_start3A_188] : memref<10240x128xf32, #tpu.memory_space<hbm>> -> memref<10240x128xf32, #tpu.memory_space<hbm>>
        %dma_start3A_190 = tpu.memref_slice %arg16[%dma_start3A_180] : memref<4x!tpu.dma_semaphore, #tpu.memory_space<semaphore_mem>> -> memref<1x!tpu.dma_semaphore, #tpu.memory_space<semaphore_mem>>
        %dma_start3A_191 = tpu.memref_squeeze %dma_start3A_190 : memref<1x!tpu.dma_semaphore, #tpu.memory_space<semaphore_mem>> -> memref<!tpu.dma_semaphore, #tpu.memory_space<semaphore_mem>>
        tpu.enqueue_indirect_dma source(%dma_start3A_189 : memref<10240x128xf32, #tpu.memory_space<hbm>>) target(%dma_start3A_184 : memref<128x128xf32, #tpu.memory_space<vmem>>) offsets(%dma_start3A_186 : memref<128xi32, #tpu.memory_space<vmem>>) semaphore(%dma_start3A_191 : memref<!tpu.dma_semaphore, #tpu.memory_space<semaphore_mem>>)
      } else {
      }
      %while3A_169 = arith.constant 0 : i32
      %while3A_170 = arith.subi %min3A_156, %while3A_169 : i32
      %while3A_171 = arith.addi %while3A_169, %while3A_170 : i32
      %while3A_172 = arith.constant 1 : i32
      %while3A_173 = arith.divsi %while3A_170, %while3A_172 : i32
      %while3A_174 = arith.muli %while3A_173, %while3A_172 : i32
      %while3A_175 = arith.addi %while3A_169, %while3A_174 : i32
      %while3A_176 = arith.constant 1 : i32
      %while3A_177:10 = scf.for %while3A_180 = %while3A_169 to %while3A_175 step %while3A_176 iter_args(%while3A_181 = %while3A_140, %while3A_182 = %while3A_141, %while3A_183 = %while3A_142, %while3A_184 = %while3A_143, %while3A_185 = %while3A_144, %while3A_186 = %while3A_145, %while3A_187 = %while3A_146, %while3A_188 = %while3A_147, %while3A_189 = %while3A_148, %while3A_190 = %while3A_149) -> (vector<16xi32>, vector<16xi1>, vector<16xf32>, vector<16xf32>, vector<16xf32>, vector<16xf32>, vector<16xf32>, vector<16xf32>, vector<16xf32>, vector<16xf32>)  : i32 {
        %rem3A_191 = arith.constant 4 : i32
        %rem3A_192 = arith.remsi %while3A_180, %rem3A_191 : i32
        %dma_wait3A = arith.constant 0 : i32
        %dma_wait3A_193 = arith.constant 0 : i32
        %dma_wait3A_194 = tpu.memref_slice %arg14[%rem3A_192, %dma_wait3A, %dma_wait3A_193] : memref<4x128x128xf32, #tpu.memory_space<vmem>> -> memref<1x128x128xf32, #tpu.memory_space<vmem>>
        %dma_wait3A_195 = tpu.memref_squeeze %dma_wait3A_194 : memref<1x128x128xf32, #tpu.memory_space<vmem>> -> memref<128x128xf32, #tpu.memory_space<vmem>>
        %dma_wait3A_196 = arith.constant 0 : i32
        %dma_wait3A_197 = tpu.memref_slice %arg12[%dma_wait3A_196] : memref<2048xi32, #tpu.memory_space<vmem>> -> memref<128xi32, #tpu.memory_space<vmem>>
        %dma_wait3A_198 = arith.constant 0 : i32
        %dma_wait3A_199 = arith.constant 0 : i32
        %dma_wait3A_200 = tpu.memref_slice %arg2[%dma_wait3A_198, %dma_wait3A_199] : memref<10240x128xf32, #tpu.memory_space<hbm>> -> memref<10240x128xf32, #tpu.memory_space<hbm>>
        %dma_wait3A_201 = tpu.memref_slice %arg16[%rem3A_192] : memref<4x!tpu.dma_semaphore, #tpu.memory_space<semaphore_mem>> -> memref<1x!tpu.dma_semaphore, #tpu.memory_space<semaphore_mem>>
        %dma_wait3A_202 = tpu.memref_squeeze %dma_wait3A_201 : memref<1x!tpu.dma_semaphore, #tpu.memory_space<semaphore_mem>> -> memref<!tpu.dma_semaphore, #tpu.memory_space<semaphore_mem>>
        tpu.wait_indirect_dma semaphore(%dma_wait3A_202 : memref<!tpu.dma_semaphore, #tpu.memory_space<semaphore_mem>>) src(%dma_wait3A_200 : memref<10240x128xf32, #tpu.memory_space<hbm>>) dst(%dma_wait3A_195 : memref<128x128xf32, #tpu.memory_space<vmem>>)
        %add3A_203 = arith.constant 3 : i32
        %add3A_204 = arith.addi %while3A_180, %add3A_203 : i32
        %lt3A = arith.cmpi slt, %add3A_204, %min3A_156 : i32
        %convert_element_type3A_205 = arith.extui %lt3A : i1 to i32
        %cond3A_206 = arith.constant 0 : i32
        %cond3A_207 = arith.cmpi ne, %convert_element_type3A_205, %cond3A_206 : i32
        scf.if %cond3A_207 {
          %add3A_221 = arith.constant 3 : i32
          %add3A_222 = arith.addi %while3A_180, %add3A_221 : i32
          %add3A_223 = arith.constant 3 : i32
          %add3A_224 = arith.addi %while3A_180, %add3A_223 : i32
          %rem3A_225 = arith.constant 4 : i32
          %rem3A_226 = arith.remsi %add3A_224, %rem3A_225 : i32
          %mul3A_227 = arith.constant 128 : i32
          %mul3A_228 = arith.muli %add3A_222, %mul3A_227 : i32
          %dma_start3A = arith.constant 0 : i32
          %dma_start3A_229 = arith.constant 0 : i32
          %dma_start3A_230 = tpu.memref_slice %arg14[%rem3A_226, %dma_start3A, %dma_start3A_229] : memref<4x128x128xf32, #tpu.memory_space<vmem>> -> memref<1x128x128xf32, #tpu.memory_space<vmem>>
          %dma_start3A_231 = tpu.memref_squeeze %dma_start3A_230 : memref<1x128x128xf32, #tpu.memory_space<vmem>> -> memref<128x128xf32, #tpu.memory_space<vmem>>
          %dma_start3A_232 = tpu.memref_slice %arg12[%mul3A_228] : memref<2048xi32, #tpu.memory_space<vmem>> -> memref<128xi32, #tpu.memory_space<vmem>>
          %dma_start3A_233 = arith.constant 0 : i32
          %dma_start3A_234 = arith.constant 0 : i32
          %dma_start3A_235 = tpu.memref_slice %arg2[%dma_start3A_233, %dma_start3A_234] : memref<10240x128xf32, #tpu.memory_space<hbm>> -> memref<10240x128xf32, #tpu.memory_space<hbm>>
          %dma_start3A_236 = tpu.memref_slice %arg16[%rem3A_226] : memref<4x!tpu.dma_semaphore, #tpu.memory_space<semaphore_mem>> -> memref<1x!tpu.dma_semaphore, #tpu.memory_space<semaphore_mem>>
          %dma_start3A_237 = tpu.memref_squeeze %dma_start3A_236 : memref<1x!tpu.dma_semaphore, #tpu.memory_space<semaphore_mem>> -> memref<!tpu.dma_semaphore, #tpu.memory_space<semaphore_mem>>
          tpu.enqueue_indirect_dma source(%dma_start3A_235 : memref<10240x128xf32, #tpu.memory_space<hbm>>) target(%dma_start3A_231 : memref<128x128xf32, #tpu.memory_space<vmem>>) offsets(%dma_start3A_232 : memref<128xi32, #tpu.memory_space<vmem>>) semaphore(%dma_start3A_237 : memref<!tpu.dma_semaphore, #tpu.memory_space<semaphore_mem>>)
        } else {
        }
        %mul3A_208 = arith.constant 128 : i32
        %mul3A_209 = arith.muli %while3A_180, %mul3A_208 : i32
        %add3A_210 = arith.addi %add3A_152, %mul3A_209 : i32
        %sub3A_211 = arith.subi %reduce_max3A_9, %add3A_210 : i32
        %jit3A_212 = arith.constant 0 : i32
        %jit3A_213 = arith.constant 128 : i32
        %max3A = arith.maxsi %jit3A_212, %sub3A_211 : i32
        %min3A_214 = arith.minsi %jit3A_213, %max3A : i32
        %sub3A_215 = arith.subi %reduce_max3A_18, %add3A_210 : i32
        %jit3A_216 = arith.constant 0 : i32
        %jit3A_217 = arith.constant 128 : i32
        %max3A_218 = arith.maxsi %jit3A_216, %sub3A_215 : i32
        %min3A_219 = arith.minsi %jit3A_217, %max3A_218 : i32
        %parallel_loop3A = arith.constant 1 : i32
        %parallel_loop3A_220:10 = scf.for %parallel_loop3A_221 = %min3A_214 to %min3A_219 step %parallel_loop3A iter_args(%parallel_loop3A_222 = %while3A_181, %parallel_loop3A_223 = %while3A_182, %parallel_loop3A_224 = %while3A_183, %parallel_loop3A_225 = %while3A_184, %parallel_loop3A_226 = %while3A_185, %parallel_loop3A_227 = %while3A_186, %parallel_loop3A_228 = %while3A_187, %parallel_loop3A_229 = %while3A_188, %parallel_loop3A_230 = %while3A_189, %parallel_loop3A_231 = %while3A_190) -> (vector<16xi32>, vector<16xi1>, vector<16xf32>, vector<16xf32>, vector<16xf32>, vector<16xf32>, vector<16xf32>, vector<16xf32>, vector<16xf32>, vector<16xf32>)  : i32 {
          %parallel_loop3A_232 = arith.constant 128 : i32
          %parallel_loop3A_233 = arith.muli %while3A_180, %parallel_loop3A_232 : i32
          %parallel_loop3A_234 = arith.addi %parallel_loop3A_233, %parallel_loop3A_221 : i32
          %parallel_loop3A_235 = vector.broadcast %parallel_loop3A_234 : i32 to vector<16xi32>
          %parallel_loop3A_236 = tpu.vector_load_idx %arg13[%parallel_loop3A_235] : memref<2048xi32, #tpu.memory_space<vmem>>[vector<16xi32>], vector<16xi32>,
          %parallel_loop3A_237 = arith.cmpi ne, %parallel_loop3A_236, %parallel_loop3A_222 : vector<16xi32>
          %parallel_loop3A_238 = arith.subi %parallel_loop3A_222, %broadcast_in_dim3A_102 : vector<16xi32>
          %parallel_loop3A_239 = arith.constant 7 : i32
          %parallel_loop3A_240 = vector.broadcast %parallel_loop3A_239 : i32 to vector<16xi32>
          %parallel_loop3A_241 = arith.shli %parallel_loop3A_238, %parallel_loop3A_240 : vector<16xi32>
          %parallel_loop3A_242 = arith.index_cast %rem3A_192 : i32 to index
          %parallel_loop3A_243 = arith.index_cast %parallel_loop3A_221 : i32 to index
          %parallel_loop3A_244 = arith.constant 0 : index
          %parallel_loop3A_245 = tpu.vector_load %arg14[%parallel_loop3A_242, %parallel_loop3A_243, %parallel_loop3A_244] {strides = array<i32>} : memref<4x128x128xf32, #tpu.memory_space<vmem>>, vector<16xf32>,
          %parallel_loop3A_246 = arith.maximumf %parallel_loop3A_224, %parallel_loop3A_245 : vector<16xf32>
          %parallel_loop3A_247 = arith.select %parallel_loop3A_223, %parallel_loop3A_245, %parallel_loop3A_246 : vector<16xi1>, vector<16xf32>
          %parallel_loop3A_248 = arith.addi %parallel_loop3A_241, %add3A_105 : vector<16xi32>
          tpu.vector_store_idx %arg15[%parallel_loop3A_248], %parallel_loop3A_247 masked %parallel_loop3A_237 : memref<40960xf32, #tpu.memory_space<vmem>>[vector<16xi32>], vector<16xf32>, vector<16xi1>
          %parallel_loop3A_249 = arith.index_cast %rem3A_192 : i32 to index
          %parallel_loop3A_250 = arith.index_cast %parallel_loop3A_221 : i32 to index
          %parallel_loop3A_251 = arith.constant 16 : index
          %parallel_loop3A_252 = tpu.vector_load %arg14[%parallel_loop3A_249, %parallel_loop3A_250, %parallel_loop3A_251] {strides = array<i32>} : memref<4x128x128xf32, #tpu.memory_space<vmem>>, vector<16xf32>,
          %parallel_loop3A_253 = arith.maximumf %parallel_loop3A_225, %parallel_loop3A_252 : vector<16xf32>
          %parallel_loop3A_254 = arith.select %parallel_loop3A_223, %parallel_loop3A_252, %parallel_loop3A_253 : vector<16xi1>, vector<16xf32>
          %parallel_loop3A_255 = arith.addi %parallel_loop3A_241, %add3A_108 : vector<16xi32>
          tpu.vector_store_idx %arg15[%parallel_loop3A_255], %parallel_loop3A_254 masked %parallel_loop3A_237 : memref<40960xf32, #tpu.memory_space<vmem>>[vector<16xi32>], vector<16xf32>, vector<16xi1>
          %parallel_loop3A_256 = arith.index_cast %rem3A_192 : i32 to index
          %parallel_loop3A_257 = arith.index_cast %parallel_loop3A_221 : i32 to index
          %parallel_loop3A_258 = arith.constant 32 : index
          %parallel_loop3A_259 = tpu.vector_load %arg14[%parallel_loop3A_256, %parallel_loop3A_257, %parallel_loop3A_258] {strides = array<i32>} : memref<4x128x128xf32, #tpu.memory_space<vmem>>, vector<16xf32>,
          %parallel_loop3A_260 = arith.maximumf %parallel_loop3A_226, %parallel_loop3A_259 : vector<16xf32>
          %parallel_loop3A_261 = arith.select %parallel_loop3A_223, %parallel_loop3A_259, %parallel_loop3A_260 : vector<16xi1>, vector<16xf32>
          %parallel_loop3A_262 = arith.addi %parallel_loop3A_241, %add3A_111 : vector<16xi32>
          tpu.vector_store_idx %arg15[%parallel_loop3A_262], %parallel_loop3A_261 masked %parallel_loop3A_237 : memref<40960xf32, #tpu.memory_space<vmem>>[vector<16xi32>], vector<16xf32>, vector<16xi1>
          %parallel_loop3A_263 = arith.index_cast %rem3A_192 : i32 to index
          %parallel_loop3A_264 = arith.index_cast %parallel_loop3A_221 : i32 to index
          %parallel_loop3A_265 = arith.constant 48 : index
          %parallel_loop3A_266 = tpu.vector_load %arg14[%parallel_loop3A_263, %parallel_loop3A_264, %parallel_loop3A_265] {strides = array<i32>} : memref<4x128x128xf32, #tpu.memory_space<vmem>>, vector<16xf32>,
          %parallel_loop3A_267 = arith.maximumf %parallel_loop3A_227, %parallel_loop3A_266 : vector<16xf32>
          %parallel_loop3A_268 = arith.select %parallel_loop3A_223, %parallel_loop3A_266, %parallel_loop3A_267 : vector<16xi1>, vector<16xf32>
          %parallel_loop3A_269 = arith.addi %parallel_loop3A_241, %add3A_114 : vector<16xi32>
          tpu.vector_store_idx %arg15[%parallel_loop3A_269], %parallel_loop3A_268 masked %parallel_loop3A_237 : memref<40960xf32, #tpu.memory_space<vmem>>[vector<16xi32>], vector<16xf32>, vector<16xi1>
          %parallel_loop3A_270 = arith.index_cast %rem3A_192 : i32 to index
          %parallel_loop3A_271 = arith.index_cast %parallel_loop3A_221 : i32 to index
          %parallel_loop3A_272 = arith.constant 64 : index
          %parallel_loop3A_273 = tpu.vector_load %arg14[%parallel_loop3A_270, %parallel_loop3A_271, %parallel_loop3A_272] {strides = array<i32>} : memref<4x128x128xf32, #tpu.memory_space<vmem>>, vector<16xf32>,
          %parallel_loop3A_274 = arith.maximumf %parallel_loop3A_228, %parallel_loop3A_273 : vector<16xf32>
          %parallel_loop3A_275 = arith.select %parallel_loop3A_223, %parallel_loop3A_273, %parallel_loop3A_274 : vector<16xi1>, vector<16xf32>
          %parallel_loop3A_276 = arith.addi %parallel_loop3A_241, %add3A_117 : vector<16xi32>
          tpu.vector_store_idx %arg15[%parallel_loop3A_276], %parallel_loop3A_275 masked %parallel_loop3A_237 : memref<40960xf32, #tpu.memory_space<vmem>>[vector<16xi32>], vector<16xf32>, vector<16xi1>
          %parallel_loop3A_277 = arith.index_cast %rem3A_192 : i32 to index
          %parallel_loop3A_278 = arith.index_cast %parallel_loop3A_221 : i32 to index
          %parallel_loop3A_279 = arith.constant 80 : index
          %parallel_loop3A_280 = tpu.vector_load %arg14[%parallel_loop3A_277, %parallel_loop3A_278, %parallel_loop3A_279] {strides = array<i32>} : memref<4x128x128xf32, #tpu.memory_space<vmem>>, vector<16xf32>,
          %parallel_loop3A_281 = arith.maximumf %parallel_loop3A_229, %parallel_loop3A_280 : vector<16xf32>
          %parallel_loop3A_282 = arith.select %parallel_loop3A_223, %parallel_loop3A_280, %parallel_loop3A_281 : vector<16xi1>, vector<16xf32>
          %parallel_loop3A_283 = arith.addi %parallel_loop3A_241, %add3A_120 : vector<16xi32>
          tpu.vector_store_idx %arg15[%parallel_loop3A_283], %parallel_loop3A_282 masked %parallel_loop3A_237 : memref<40960xf32, #tpu.memory_space<vmem>>[vector<16xi32>], vector<16xf32>, vector<16xi1>
          %parallel_loop3A_284 = arith.index_cast %rem3A_192 : i32 to index
          %parallel_loop3A_285 = arith.index_cast %parallel_loop3A_221 : i32 to index
          %parallel_loop3A_286 = arith.constant 96 : index
          %parallel_loop3A_287 = tpu.vector_load %arg14[%parallel_loop3A_284, %parallel_loop3A_285, %parallel_loop3A_286] {strides = array<i32>} : memref<4x128x128xf32, #tpu.memory_space<vmem>>, vector<16xf32>,
          %parallel_loop3A_288 = arith.maximumf %parallel_loop3A_230, %parallel_loop3A_287 : vector<16xf32>
          %parallel_loop3A_289 = arith.select %parallel_loop3A_223, %parallel_loop3A_287, %parallel_loop3A_288 : vector<16xi1>, vector<16xf32>
          %parallel_loop3A_290 = arith.addi %parallel_loop3A_241, %add3A_123 : vector<16xi32>
          tpu.vector_store_idx %arg15[%parallel_loop3A_290], %parallel_loop3A_289 masked %parallel_loop3A_237 : memref<40960xf32, #tpu.memory_space<vmem>>[vector<16xi32>], vector<16xf32>, vector<16xi1>
          %parallel_loop3A_291 = arith.index_cast %rem3A_192 : i32 to index
          %parallel_loop3A_292 = arith.index_cast %parallel_loop3A_221 : i32 to index
          %parallel_loop3A_293 = arith.constant 112 : index
          %parallel_loop3A_294 = tpu.vector_load %arg14[%parallel_loop3A_291, %parallel_loop3A_292, %parallel_loop3A_293] {strides = array<i32>} : memref<4x128x128xf32, #tpu.memory_space<vmem>>, vector<16xf32>,
          %parallel_loop3A_295 = arith.maximumf %parallel_loop3A_231, %parallel_loop3A_294 : vector<16xf32>
          %parallel_loop3A_296 = arith.select %parallel_loop3A_223, %parallel_loop3A_294, %parallel_loop3A_295 : vector<16xi1>, vector<16xf32>
          %parallel_loop3A_297 = arith.addi %parallel_loop3A_241, %add3A_126 : vector<16xi32>
          tpu.vector_store_idx %arg15[%parallel_loop3A_297], %parallel_loop3A_296 masked %parallel_loop3A_237 : memref<40960xf32, #tpu.memory_space<vmem>>[vector<16xi32>], vector<16xf32>, vector<16xi1>
          scf.yield %parallel_loop3A_236, %parallel_loop3A_237, %parallel_loop3A_247, %parallel_loop3A_254, %parallel_loop3A_261, %parallel_loop3A_268, %parallel_loop3A_275, %parallel_loop3A_282, %parallel_loop3A_289, %parallel_loop3A_296 : vector<16xi32>, vector<16xi1>, vector<16xf32>, vector<16xf32>, vector<16xf32>, vector<16xf32>, vector<16xf32>, vector<16xf32>, vector<16xf32>, vector<16xf32>
        } {sc.loop_unroll_factor = 8 : i64, sc.parallel_access}
        scf.yield %parallel_loop3A_220#0, %parallel_loop3A_220#1, %parallel_loop3A_220#2, %parallel_loop3A_220#3, %parallel_loop3A_220#4, %parallel_loop3A_220#5, %parallel_loop3A_220#6, %parallel_loop3A_220#7, %parallel_loop3A_220#8, %parallel_loop3A_220#9 : vector<16xi32>, vector<16xi1>, vector<16xf32>, vector<16xf32>, vector<16xf32>, vector<16xf32>, vector<16xf32>, vector<16xf32>, vector<16xf32>, vector<16xf32>
      }
      %while3A_178 = arith.constant 1 : i32
      %while3A_179:10 = scf.for %while3A_180 = %while3A_175 to %while3A_171 step %while3A_178 iter_args(%while3A_181 = %while3A_177#0, %while3A_182 = %while3A_177#1, %while3A_183 = %while3A_177#2, %while3A_184 = %while3A_177#3, %while3A_185 = %while3A_177#4, %while3A_186 = %while3A_177#5, %while3A_187 = %while3A_177#6, %while3A_188 = %while3A_177#7, %while3A_189 = %while3A_177#8, %while3A_190 = %while3A_177#9) -> (vector<16xi32>, vector<16xi1>, vector<16xf32>, vector<16xf32>, vector<16xf32>, vector<16xf32>, vector<16xf32>, vector<16xf32>, vector<16xf32>, vector<16xf32>)  : i32 {
        %rem3A_191 = arith.constant 4 : i32
        %rem3A_192 = arith.remsi %while3A_180, %rem3A_191 : i32
        %dma_wait3A = arith.constant 0 : i32
        %dma_wait3A_193 = arith.constant 0 : i32
        %dma_wait3A_194 = tpu.memref_slice %arg14[%rem3A_192, %dma_wait3A, %dma_wait3A_193] : memref<4x128x128xf32, #tpu.memory_space<vmem>> -> memref<1x128x128xf32, #tpu.memory_space<vmem>>
        %dma_wait3A_195 = tpu.memref_squeeze %dma_wait3A_194 : memref<1x128x128xf32, #tpu.memory_space<vmem>> -> memref<128x128xf32, #tpu.memory_space<vmem>>
        %dma_wait3A_196 = arith.constant 0 : i32
        %dma_wait3A_197 = tpu.memref_slice %arg12[%dma_wait3A_196] : memref<2048xi32, #tpu.memory_space<vmem>> -> memref<128xi32, #tpu.memory_space<vmem>>
        %dma_wait3A_198 = arith.constant 0 : i32
        %dma_wait3A_199 = arith.constant 0 : i32
        %dma_wait3A_200 = tpu.memref_slice %arg2[%dma_wait3A_198, %dma_wait3A_199] : memref<10240x128xf32, #tpu.memory_space<hbm>> -> memref<10240x128xf32, #tpu.memory_space<hbm>>
        %dma_wait3A_201 = tpu.memref_slice %arg16[%rem3A_192] : memref<4x!tpu.dma_semaphore, #tpu.memory_space<semaphore_mem>> -> memref<1x!tpu.dma_semaphore, #tpu.memory_space<semaphore_mem>>
        %dma_wait3A_202 = tpu.memref_squeeze %dma_wait3A_201 : memref<1x!tpu.dma_semaphore, #tpu.memory_space<semaphore_mem>> -> memref<!tpu.dma_semaphore, #tpu.memory_space<semaphore_mem>>
        tpu.wait_indirect_dma semaphore(%dma_wait3A_202 : memref<!tpu.dma_semaphore, #tpu.memory_space<semaphore_mem>>) src(%dma_wait3A_200 : memref<10240x128xf32, #tpu.memory_space<hbm>>) dst(%dma_wait3A_195 : memref<128x128xf32, #tpu.memory_space<vmem>>)
        %add3A_203 = arith.constant 3 : i32
        %add3A_204 = arith.addi %while3A_180, %add3A_203 : i32
        %lt3A = arith.cmpi slt, %add3A_204, %min3A_156 : i32
        %convert_element_type3A_205 = arith.extui %lt3A : i1 to i32
        %cond3A_206 = arith.constant 0 : i32
        %cond3A_207 = arith.cmpi ne, %convert_element_type3A_205, %cond3A_206 : i32
        scf.if %cond3A_207 {
          %add3A_221 = arith.constant 3 : i32
          %add3A_222 = arith.addi %while3A_180, %add3A_221 : i32
          %add3A_223 = arith.constant 3 : i32
          %add3A_224 = arith.addi %while3A_180, %add3A_223 : i32
          %rem3A_225 = arith.constant 4 : i32
          %rem3A_226 = arith.remsi %add3A_224, %rem3A_225 : i32
          %mul3A_227 = arith.constant 128 : i32
          %mul3A_228 = arith.muli %add3A_222, %mul3A_227 : i32
          %dma_start3A = arith.constant 0 : i32
          %dma_start3A_229 = arith.constant 0 : i32
          %dma_start3A_230 = tpu.memref_slice %arg14[%rem3A_226, %dma_start3A, %dma_start3A_229] : memref<4x128x128xf32, #tpu.memory_space<vmem>> -> memref<1x128x128xf32, #tpu.memory_space<vmem>>
          %dma_start3A_231 = tpu.memref_squeeze %dma_start3A_230 : memref<1x128x128xf32, #tpu.memory_space<vmem>> -> memref<128x128xf32, #tpu.memory_space<vmem>>
          %dma_start3A_232 = tpu.memref_slice %arg12[%mul3A_228] : memref<2048xi32, #tpu.memory_space<vmem>> -> memref<128xi32, #tpu.memory_space<vmem>>
          %dma_start3A_233 = arith.constant 0 : i32
          %dma_start3A_234 = arith.constant 0 : i32
          %dma_start3A_235 = tpu.memref_slice %arg2[%dma_start3A_233, %dma_start3A_234] : memref<10240x128xf32, #tpu.memory_space<hbm>> -> memref<10240x128xf32, #tpu.memory_space<hbm>>
          %dma_start3A_236 = tpu.memref_slice %arg16[%rem3A_226] : memref<4x!tpu.dma_semaphore, #tpu.memory_space<semaphore_mem>> -> memref<1x!tpu.dma_semaphore, #tpu.memory_space<semaphore_mem>>
          %dma_start3A_237 = tpu.memref_squeeze %dma_start3A_236 : memref<1x!tpu.dma_semaphore, #tpu.memory_space<semaphore_mem>> -> memref<!tpu.dma_semaphore, #tpu.memory_space<semaphore_mem>>
          tpu.enqueue_indirect_dma source(%dma_start3A_235 : memref<10240x128xf32, #tpu.memory_space<hbm>>) target(%dma_start3A_231 : memref<128x128xf32, #tpu.memory_space<vmem>>) offsets(%dma_start3A_232 : memref<128xi32, #tpu.memory_space<vmem>>) semaphore(%dma_start3A_237 : memref<!tpu.dma_semaphore, #tpu.memory_space<semaphore_mem>>)
        } else {
        }
        %mul3A_208 = arith.constant 128 : i32
        %mul3A_209 = arith.muli %while3A_180, %mul3A_208 : i32
        %add3A_210 = arith.addi %add3A_152, %mul3A_209 : i32
        %sub3A_211 = arith.subi %reduce_max3A_9, %add3A_210 : i32
        %jit3A_212 = arith.constant 0 : i32
        %jit3A_213 = arith.constant 128 : i32
        %max3A = arith.maxsi %jit3A_212, %sub3A_211 : i32
        %min3A_214 = arith.minsi %jit3A_213, %max3A : i32
        %sub3A_215 = arith.subi %reduce_max3A_18, %add3A_210 : i32
        %jit3A_216 = arith.constant 0 : i32
        %jit3A_217 = arith.constant 128 : i32
        %max3A_218 = arith.maxsi %jit3A_216, %sub3A_215 : i32
        %min3A_219 = arith.minsi %jit3A_217, %max3A_218 : i32
        %parallel_loop3A = arith.constant 1 : i32
        %parallel_loop3A_220:10 = scf.for %parallel_loop3A_221 = %min3A_214 to %min3A_219 step %parallel_loop3A iter_args(%parallel_loop3A_222 = %while3A_181, %parallel_loop3A_223 = %while3A_182, %parallel_loop3A_224 = %while3A_183, %parallel_loop3A_225 = %while3A_184, %parallel_loop3A_226 = %while3A_185, %parallel_loop3A_227 = %while3A_186, %parallel_loop3A_228 = %while3A_187, %parallel_loop3A_229 = %while3A_188, %parallel_loop3A_230 = %while3A_189, %parallel_loop3A_231 = %while3A_190) -> (vector<16xi32>, vector<16xi1>, vector<16xf32>, vector<16xf32>, vector<16xf32>, vector<16xf32>, vector<16xf32>, vector<16xf32>, vector<16xf32>, vector<16xf32>)  : i32 {
          %parallel_loop3A_232 = arith.constant 128 : i32
          %parallel_loop3A_233 = arith.muli %while3A_180, %parallel_loop3A_232 : i32
          %parallel_loop3A_234 = arith.addi %parallel_loop3A_233, %parallel_loop3A_221 : i32
          %parallel_loop3A_235 = vector.broadcast %parallel_loop3A_234 : i32 to vector<16xi32>
          %parallel_loop3A_236 = tpu.vector_load_idx %arg13[%parallel_loop3A_235] : memref<2048xi32, #tpu.memory_space<vmem>>[vector<16xi32>], vector<16xi32>,
          %parallel_loop3A_237 = arith.cmpi ne, %parallel_loop3A_236, %parallel_loop3A_222 : vector<16xi32>
          %parallel_loop3A_238 = arith.subi %parallel_loop3A_222, %broadcast_in_dim3A_102 : vector<16xi32>
          %parallel_loop3A_239 = arith.constant 7 : i32
          %parallel_loop3A_240 = vector.broadcast %parallel_loop3A_239 : i32 to vector<16xi32>
          %parallel_loop3A_241 = arith.shli %parallel_loop3A_238, %parallel_loop3A_240 : vector<16xi32>
          %parallel_loop3A_242 = arith.index_cast %rem3A_192 : i32 to index
          %parallel_loop3A_243 = arith.index_cast %parallel_loop3A_221 : i32 to index
          %parallel_loop3A_244 = arith.constant 0 : index
          %parallel_loop3A_245 = tpu.vector_load %arg14[%parallel_loop3A_242, %parallel_loop3A_243, %parallel_loop3A_244] {strides = array<i32>} : memref<4x128x128xf32, #tpu.memory_space<vmem>>, vector<16xf32>,
          %parallel_loop3A_246 = arith.maximumf %parallel_loop3A_224, %parallel_loop3A_245 : vector<16xf32>
          %parallel_loop3A_247 = arith.select %parallel_loop3A_223, %parallel_loop3A_245, %parallel_loop3A_246 : vector<16xi1>, vector<16xf32>
          %parallel_loop3A_248 = arith.addi %parallel_loop3A_241, %add3A_105 : vector<16xi32>
          tpu.vector_store_idx %arg15[%parallel_loop3A_248], %parallel_loop3A_247 masked %parallel_loop3A_237 : memref<40960xf32, #tpu.memory_space<vmem>>[vector<16xi32>], vector<16xf32>, vector<16xi1>
          %parallel_loop3A_249 = arith.index_cast %rem3A_192 : i32 to index
          %parallel_loop3A_250 = arith.index_cast %parallel_loop3A_221 : i32 to index
          %parallel_loop3A_251 = arith.constant 16 : index
          %parallel_loop3A_252 = tpu.vector_load %arg14[%parallel_loop3A_249, %parallel_loop3A_250, %parallel_loop3A_251] {strides = array<i32>} : memref<4x128x128xf32, #tpu.memory_space<vmem>>, vector<16xf32>,
          %parallel_loop3A_253 = arith.maximumf %parallel_loop3A_225, %parallel_loop3A_252 : vector<16xf32>
          %parallel_loop3A_254 = arith.select %parallel_loop3A_223, %parallel_loop3A_252, %parallel_loop3A_253 : vector<16xi1>, vector<16xf32>
          %parallel_loop3A_255 = arith.addi %parallel_loop3A_241, %add3A_108 : vector<16xi32>
          tpu.vector_store_idx %arg15[%parallel_loop3A_255], %parallel_loop3A_254 masked %parallel_loop3A_237 : memref<40960xf32, #tpu.memory_space<vmem>>[vector<16xi32>], vector<16xf32>, vector<16xi1>
          %parallel_loop3A_256 = arith.index_cast %rem3A_192 : i32 to index
          %parallel_loop3A_257 = arith.index_cast %parallel_loop3A_221 : i32 to index
          %parallel_loop3A_258 = arith.constant 32 : index
          %parallel_loop3A_259 = tpu.vector_load %arg14[%parallel_loop3A_256, %parallel_loop3A_257, %parallel_loop3A_258] {strides = array<i32>} : memref<4x128x128xf32, #tpu.memory_space<vmem>>, vector<16xf32>,
          %parallel_loop3A_260 = arith.maximumf %parallel_loop3A_226, %parallel_loop3A_259 : vector<16xf32>
          %parallel_loop3A_261 = arith.select %parallel_loop3A_223, %parallel_loop3A_259, %parallel_loop3A_260 : vector<16xi1>, vector<16xf32>
          %parallel_loop3A_262 = arith.addi %parallel_loop3A_241, %add3A_111 : vector<16xi32>
          tpu.vector_store_idx %arg15[%parallel_loop3A_262], %parallel_loop3A_261 masked %parallel_loop3A_237 : memref<40960xf32, #tpu.memory_space<vmem>>[vector<16xi32>], vector<16xf32>, vector<16xi1>
          %parallel_loop3A_263 = arith.index_cast %rem3A_192 : i32 to index
          %parallel_loop3A_264 = arith.index_cast %parallel_loop3A_221 : i32 to index
          %parallel_loop3A_265 = arith.constant 48 : index
          %parallel_loop3A_266 = tpu.vector_load %arg14[%parallel_loop3A_263, %parallel_loop3A_264, %parallel_loop3A_265] {strides = array<i32>} : memref<4x128x128xf32, #tpu.memory_space<vmem>>, vector<16xf32>,
          %parallel_loop3A_267 = arith.maximumf %parallel_loop3A_227, %parallel_loop3A_266 : vector<16xf32>
          %parallel_loop3A_268 = arith.select %parallel_loop3A_223, %parallel_loop3A_266, %parallel_loop3A_267 : vector<16xi1>, vector<16xf32>
          %parallel_loop3A_269 = arith.addi %parallel_loop3A_241, %add3A_114 : vector<16xi32>
          tpu.vector_store_idx %arg15[%parallel_loop3A_269], %parallel_loop3A_268 masked %parallel_loop3A_237 : memref<40960xf32, #tpu.memory_space<vmem>>[vector<16xi32>], vector<16xf32>, vector<16xi1>
          %parallel_loop3A_270 = arith.index_cast %rem3A_192 : i32 to index
          %parallel_loop3A_271 = arith.index_cast %parallel_loop3A_221 : i32 to index
          %parallel_loop3A_272 = arith.constant 64 : index
          %parallel_loop3A_273 = tpu.vector_load %arg14[%parallel_loop3A_270, %parallel_loop3A_271, %parallel_loop3A_272] {strides = array<i32>} : memref<4x128x128xf32, #tpu.memory_space<vmem>>, vector<16xf32>,
          %parallel_loop3A_274 = arith.maximumf %parallel_loop3A_228, %parallel_loop3A_273 : vector<16xf32>
          %parallel_loop3A_275 = arith.select %parallel_loop3A_223, %parallel_loop3A_273, %parallel_loop3A_274 : vector<16xi1>, vector<16xf32>
          %parallel_loop3A_276 = arith.addi %parallel_loop3A_241, %add3A_117 : vector<16xi32>
          tpu.vector_store_idx %arg15[%parallel_loop3A_276], %parallel_loop3A_275 masked %parallel_loop3A_237 : memref<40960xf32, #tpu.memory_space<vmem>>[vector<16xi32>], vector<16xf32>, vector<16xi1>
          %parallel_loop3A_277 = arith.index_cast %rem3A_192 : i32 to index
          %parallel_loop3A_278 = arith.index_cast %parallel_loop3A_221 : i32 to index
          %parallel_loop3A_279 = arith.constant 80 : index
          %parallel_loop3A_280 = tpu.vector_load %arg14[%parallel_loop3A_277, %parallel_loop3A_278, %parallel_loop3A_279] {strides = array<i32>} : memref<4x128x128xf32, #tpu.memory_space<vmem>>, vector<16xf32>,
          %parallel_loop3A_281 = arith.maximumf %parallel_loop3A_229, %parallel_loop3A_280 : vector<16xf32>
          %parallel_loop3A_282 = arith.select %parallel_loop3A_223, %parallel_loop3A_280, %parallel_loop3A_281 : vector<16xi1>, vector<16xf32>
          %parallel_loop3A_283 = arith.addi %parallel_loop3A_241, %add3A_120 : vector<16xi32>
          tpu.vector_store_idx %arg15[%parallel_loop3A_283], %parallel_loop3A_282 masked %parallel_loop3A_237 : memref<40960xf32, #tpu.memory_space<vmem>>[vector<16xi32>], vector<16xf32>, vector<16xi1>
          %parallel_loop3A_284 = arith.index_cast %rem3A_192 : i32 to index
          %parallel_loop3A_285 = arith.index_cast %parallel_loop3A_221 : i32 to index
          %parallel_loop3A_286 = arith.constant 96 : index
          %parallel_loop3A_287 = tpu.vector_load %arg14[%parallel_loop3A_284, %parallel_loop3A_285, %parallel_loop3A_286] {strides = array<i32>} : memref<4x128x128xf32, #tpu.memory_space<vmem>>, vector<16xf32>,
          %parallel_loop3A_288 = arith.maximumf %parallel_loop3A_230, %parallel_loop3A_287 : vector<16xf32>
          %parallel_loop3A_289 = arith.select %parallel_loop3A_223, %parallel_loop3A_287, %parallel_loop3A_288 : vector<16xi1>, vector<16xf32>
          %parallel_loop3A_290 = arith.addi %parallel_loop3A_241, %add3A_123 : vector<16xi32>
          tpu.vector_store_idx %arg15[%parallel_loop3A_290], %parallel_loop3A_289 masked %parallel_loop3A_237 : memref<40960xf32, #tpu.memory_space<vmem>>[vector<16xi32>], vector<16xf32>, vector<16xi1>
          %parallel_loop3A_291 = arith.index_cast %rem3A_192 : i32 to index
          %parallel_loop3A_292 = arith.index_cast %parallel_loop3A_221 : i32 to index
          %parallel_loop3A_293 = arith.constant 112 : index
          %parallel_loop3A_294 = tpu.vector_load %arg14[%parallel_loop3A_291, %parallel_loop3A_292, %parallel_loop3A_293] {strides = array<i32>} : memref<4x128x128xf32, #tpu.memory_space<vmem>>, vector<16xf32>,
          %parallel_loop3A_295 = arith.maximumf %parallel_loop3A_231, %parallel_loop3A_294 : vector<16xf32>
          %parallel_loop3A_296 = arith.select %parallel_loop3A_223, %parallel_loop3A_294, %parallel_loop3A_295 : vector<16xi1>, vector<16xf32>
          %parallel_loop3A_297 = arith.addi %parallel_loop3A_241, %add3A_126 : vector<16xi32>
          tpu.vector_store_idx %arg15[%parallel_loop3A_297], %parallel_loop3A_296 masked %parallel_loop3A_237 : memref<40960xf32, #tpu.memory_space<vmem>>[vector<16xi32>], vector<16xf32>, vector<16xi1>
          scf.yield %parallel_loop3A_236, %parallel_loop3A_237, %parallel_loop3A_247, %parallel_loop3A_254, %parallel_loop3A_261, %parallel_loop3A_268, %parallel_loop3A_275, %parallel_loop3A_282, %parallel_loop3A_289, %parallel_loop3A_296 : vector<16xi32>, vector<16xi1>, vector<16xf32>, vector<16xf32>, vector<16xf32>, vector<16xf32>, vector<16xf32>, vector<16xf32>, vector<16xf32>, vector<16xf32>
        } {sc.loop_unroll_factor = 8 : i64, sc.parallel_access}
        scf.yield %parallel_loop3A_220#0, %parallel_loop3A_220#1, %parallel_loop3A_220#2, %parallel_loop3A_220#3, %parallel_loop3A_220#4, %parallel_loop3A_220#5, %parallel_loop3A_220#6, %parallel_loop3A_220#7, %parallel_loop3A_220#8, %parallel_loop3A_220#9 : vector<16xi32>, vector<16xi1>, vector<16xf32>, vector<16xf32>, vector<16xf32>, vector<16xf32>, vector<16xf32>, vector<16xf32>, vector<16xf32>, vector<16xf32>
      }
      scf.yield %while3A_179#0, %while3A_179#1, %while3A_179#2, %while3A_179#3, %while3A_179#4, %while3A_179#5, %while3A_179#6, %while3A_179#7, %while3A_179#8, %while3A_179#9 : vector<16xi32>, vector<16xi1>, vector<16xf32>, vector<16xf32>, vector<16xf32>, vector<16xf32>, vector<16xf32>, vector<16xf32>, vector<16xf32>, vector<16xf32>
    }
    %mul3A_137 = arith.constant 128 : i32
    %mul3A_138 = arith.muli %mul3A_2, %mul3A_137 : i32
    "tpu.region"() ({
      %run_scoped3A = tpu.sem_alloc : memref<!tpu.dma_semaphore, #tpu.memory_space<semaphore_mem>>
      %dma_start3A = tpu.memref_slice %arg8[%mul3A_138] : memref<1310720xf32, #tpu.memory_space<hbm>> -> memref<40960xf32, #tpu.memory_space<hbm>>
      %dma_start3A_139 = tpu.memref_slice %arg8[%mul3A_138] : memref<1310720xf32, #tpu.memory_space<hbm>> -> memref<40960xf32, #tpu.memory_space<hbm>>
      tpu.enqueue_dma source(%arg15 : memref<40960xf32, #tpu.memory_space<vmem>>) target(%dma_start3A_139 : memref<40960xf32, #tpu.memory_space<hbm>>) target_semaphore(%run_scoped3A : memref<!tpu.dma_semaphore, #tpu.memory_space<semaphore_mem>>)
      %dma_wait3A = tpu.memref_slice %arg8[%mul3A_138] : memref<1310720xf32, #tpu.memory_space<hbm>> -> memref<40960xf32, #tpu.memory_space<hbm>>
      %dma_wait3A_140 = tpu.memref_slice %arg8[%mul3A_138] : memref<1310720xf32, #tpu.memory_space<hbm>> -> memref<40960xf32, #tpu.memory_space<hbm>>
      tpu.wait_dma2 semaphore(%run_scoped3A : memref<!tpu.dma_semaphore, #tpu.memory_space<semaphore_mem>>) src(%arg15 : memref<40960xf32, #tpu.memory_space<vmem>>) dst(%dma_wait3A_140 : memref<40960xf32, #tpu.memory_space<hbm>>)
      tpu.yield
    }) : () -> ()
    return
  }
}

</mosaic_0001>

<sc_bundles>
// kernel: _segmax.3.cloned.1.call-start
scs
__scs_entry_jumppad:
0x0: {  	(pc) =	sbr.rel $0x88, $3  }
0x1: {  	(tag) =	ssettag $0x0;
	lr =	simm.s32 $0x1  }
0x2: {  	[smem:$0x3F9B] =	sst lr;
	_ =	strace $0xD0000000  }
0x3: {  	_ = 	snop  }
0x4: {  	_ = 	snop  }
0x5: {  	_ = 	snop  }
0x6: {  	_ = 	snop  }
0x7: {  	_ = 	snop  }
__scs_overlays_trampoline_lowered:
0x8: {  	[smem:$0x3FAA] =	sst s0  }
0x9: {  	[smem:$0x3FAB] =	sst s1  }
0xa: {  	[smem:$0x3FAC] =	sst s2  }
0xb: {  	[smem:$0x3FAD] =	sst s3  }
0xc: {  	[smem:$0x3FAE] =	sst s4  }
0xd: {  	[smem:$0x3FAF] =	sst s5  }
0xe: {  	[smem:$0x3FB0] =	sst s6  }
0xf: {  	[smem:$0x3FB1] =	sst s7  }
0x10: {  	[smem:$0x3FB2] =	sst s8  }
0x11: {  	[smem:$0x3FB3] =	sst s9;
	s0 =	simm.s32 @!p0 $0x0  }
0x12: {  	s1 =	sld [smem:$0x3F99];
	s0 =	simm.s32 @p0 $0x1  }
0x13: {  	[smem:$0x3FB4] =	sst s0;
	s0 =	simm.s32 @!p1 $0x0  }
0x14: {  	s2 =	sld [smem:$0x3F98];
	s0 =	simm.s32 @p1 $0x1  }
0x15: {  	[smem:$0x3FB5] =	sst s0;
	s0 =	simm.s32 @!p2 $0x0  }
0x16: {  	s3 =	sld [smem:$0x3FDB];
	s0 =	simm.s32 @p2 $0x1  }
0x17: {  	s4 =	simm.s32 $0x1BF5;
	[smem:$0x3FB7] =	sst s0  }
0x18: {  	s0 =	sld [smem:$0x3F9A];
	_ =	swait.ge [sflag:s4], $0x0  }
0x19: {  	s7 =	sld [smem:$0x3F9B]  }
0x1a: {  	s8 =	sadd.s32 $0xFFFFE003, lr  }
0x1b: {  	s9 =	sadd.s32 $0xFFFFFEF7, lr;
	s5 =	simm.s32 $0xFFFFFFFF;
	p2 =	slt.u32 s8, $0xFFFFF086  }
0x1c: {  	p1 =	slt.u32 s9, $0xF7A;
	s5 =	simm.s32 @!p2 $0x0  }
0x1d: {  	s5 =	simm.s32 @p1 $0x1;
	p0 =	seq.s32 s7, s2  }
0x1e: {  	s7 =	smul.u32 @!p0 $0xF7A, s2;
	p2 =	seq.s32 @!p0 s5, $0x0  }
0x1f: {  	s9 =	smul.u32 $0xF7A, s1;
	s8 =	simm.s32 @!p0 $0x1BF5;
	p2 =	por !p2, p0  }
0x20: {  	[sflag:s8] =	ssyncset.s32 @!p0 $0xFFFFF086;
	s6 =	sadd.s32 @!p0 s3, s7;
	s7 =	simm.s32 @!p0 $0x108  }
0x21: {  	s3 =	sadd.s32 s3, s9;
	s6 =	sadd.s32 @!p0 $0x88, s6;
	s7 =	simm.s32 @p2 $0x1082  }
0x22: {  	[simem:s7], [sflag:s8] =	dma.local @!p0 [hbm:s6], $0xF7A  }
0x23: {  	s9 =	sor.u32 $0xD0000000, s2;
	s6 =	simm.s32 $0x108;
	_ =	swait.ge @!p0 [sflag:s8], $0x0  }
0x24: {  	s3 =	sadd.s32 $0x88, s3;
	s6 =	simm.s32 @!p1 $0x1082;
	[sflag:s4] =	ssyncset.s32 $0xFFFFF086  }
0x25: {  	[simem:s6], [sflag:s4] =	dma.local [hbm:s3], $0xF7A  }
0x26: {  	[smem:$0x3F9B] =	sst s1;
	(tag) =	ssettag s2;
	_ =	strace s9  }
0x27: {  	s1 =	sld [smem:$0x3FAB]  }
0x28: {  	s2 =	sld [smem:$0x3FAC]  }
0x29: {  	s4 =	sld [smem:$0x3FAE]  }
0x2a: {  	p0 =	seq.s32 s5, $0x0;
	s5 =	sld [smem:$0x3FAF]  }
0x2b: {  	s6 =	sld [smem:$0x3FB0]  }
0x2c: {  	s7 =	sld [smem:$0x3FB1]  }
0x2d: {  	s3 =	simm.s32 $0x108;
	s8 =	sld [smem:$0x3FB2]  }
0x2e: {  	s3 =	simm.s32 @!p0 $0x1082;
	s9 =	sld [smem:$0x3FB3]  }
0x2f: {  	lr =	sadd.s32 s0, s3;
	s0 =	sld [smem:$0x3FAA]  }
0x30: {  	s3 =	sld [smem:$0x3FAD]  }
0x31: {  	[smem:$0x3FB6] =	sst s10  }
0x32: {  	s10 =	sld [smem:$0x3FB4];
	_ =	sdelay $0x3  }
0x33: {  	p0 =	seq.s32 s10, $0x1;
	s10 =	sld [smem:$0x3FB6];
	_ =	sdelay $0x3  }
0x34: {  	[smem:$0x3FB6] =	sst s10  }
0x35: {  	s10 =	sld [smem:$0x3FB5];
	_ =	sdelay $0x3  }
0x36: {  	p1 =	seq.s32 s10, $0x1;
	s10 =	sld [smem:$0x3FB6];
	_ =	sdelay $0x3  }
0x37: {  	[smem:$0x3FB6] =	sst s10  }
0x38: {  	s10 =	sld [smem:$0x3FB7]  }
0x39: {  	_ = 	snop;
	(pc) =	sbr.ind lr, $3  }
0x3a: {  	_ = 	snop  }
0x3b: {  	_ = 	snop  }
0x3c: {  	p2 =	seq.s32 s10, $0x1;
	s10 =	sld [smem:$0x3FB6]  }
0x3d: {  	_ =	shalt  }
0x3e: {  	_ =	shalt  }
0x3f: {  	_ =	shalt  }
0x40: {  	_ =	shalt  }
0x41: {  	_ =	shalt  }
0x42: {  	_ =	shalt  }
0x43: {  	_ =	shalt  }
0x44: {  	_ =	shalt  }
0x45: {  	_ =	shalt  }
0x46: {  	_ =	shalt  }
0x47: {  	_ =	shalt  }
0x48: {  	_ =	shalt  }
0x49: {  	_ =	shalt  }
0x4a: {  	_ =	shalt  }
0x4b: {  	_ =	shalt  }
0x4c: {  	_ =	shalt  }
0x4d: {  	_ =	shalt  }
0x4e: {  	_ =	shalt  }
0x4f: {  	_ =	shalt  }
0x50: {  	_ =	shalt  }
0x51: {  	_ =	shalt  }
0x52: {  	_ =	shalt  }
0x53: {  	_ =	shalt  }
0x54: {  	_ =	shalt  }
0x55: {  	_ =	shalt  }
0x56: {  	_ =	shalt  }
0x57: {  	_ =	shalt  }
0x58: {  	_ =	shalt  }
0x59: {  	_ =	shalt  }
0x5a: {  	_ =	shalt  }
0x5b: {  	_ =	shalt  }
0x5c: {  	_ =	shalt  }
0x5d: {  	_ =	shalt  }
0x5e: {  	_ =	shalt  }
0x5f: {  	_ =	shalt  }
0x60: {  	_ =	shalt  }
0x61: {  	_ =	shalt  }
0x62: {  	_ =	shalt  }
0x63: {  	_ =	shalt  }
0x64: {  	_ =	shalt  }
0x65: {  	_ =	shalt  }
0x66: {  	_ =	shalt  }
0x67: {  	_ =	shalt  }
0x68: {  	_ =	shalt  }
0x69: {  	_ =	shalt  }
0x6a: {  	_ =	shalt  }
0x6b: {  	_ =	shalt  }
0x6c: {  	_ =	shalt  }
0x6d: {  	_ =	shalt  }
0x6e: {  	_ =	shalt  }
0x6f: {  	_ =	shalt  }
0x70: {  	_ =	shalt  }
0x71: {  	_ =	shalt  }
0x72: {  	_ =	shalt  }
0x73: {  	_ =	shalt  }
0x74: {  	_ =	shalt  }
0x75: {  	_ =	shalt  }
0x76: {  	_ =	shalt  }
0x77: {  	_ =	shalt  }
0x78: {  	_ =	shalt  }
0x79: {  	_ =	shalt  }
0x7a: {  	_ =	shalt  }
0x7b: {  	_ =	shalt  }
0x7c: {  	_ =	shalt  }
0x7d: {  	_ =	shalt  }
0x7e: {  	_ =	shalt  }
0x7f: {  	_ =	shalt  }
0x80: {  	_ =	shalt  }
0x81: {  	_ =	shalt  }
0x82: {  	_ =	shalt  }
0x83: {  	_ =	shalt  }
0x84: {  	_ =	shalt  }
0x85: {  	_ =	shalt  }
0x86: {  	_ =	shalt  }
0x87: {  	_ =	shalt  }
.Lfunc_end0:
.L_simem_size_0:
called_computation_lowered:
.L_overlay_start_0:
0x88: {  	s2 =	sld [smem:$0x3FD9]  }
0x89: {  	s3 =	sld [smem:$0x3FFE];
	_ =	sdelay $0x1  }
0x8a: {  	s1 =	srdreg.scid  }
0x8b: {  	s0 =	sand.u32 $0x1, s1  }
0x8c: {  	s18 =	sshll.u32 s0, $0xA;
	s2 =	sadd.s32 s3, s2  }
0x8d: {  	s2 =	sadd.s32 s2, s18  }
0x8e: {  	[smem:$0x3FC2] =	sst s2  }
0x8f: {  	_ = 	snop  }
0x90: {  	s2 =	sld [smem:$0x3FC9]  }
0x91: {  	s19 =	sld [smem:$0x3FC8]  }
0x92: {  	s4 =	sld [smem:$0x3FC7]  }
0x93: {  	s5 =	sld [smem:$0x3FC6]  }
0x94: {  	s6 =	sld [smem:$0x3FC5]  }
0x95: {  	s7 =	sld [smem:$0x3FC4]  }
0x96: {  	s8 =	sld [smem:$0x3FD0];
	(tm) =	ssettm $0x1  }
0x97: {  	s9 =	sld [smem:$0x3FFB];
	_ =	sdelay $0x3  }
0x98: {  	_ =	strace s9  }
0x99: {  	s9 =	sld [smem:$0x3FFC];
	_ =	sdelay $0x3  }
0x9a: {  	_ =	strace s9  }
0x9b: {  	s9 =	sld [smem:$0x3FFD];
	_ =	sdelay $0x3  }
0x9c: {  	_ =	strace s9  }
0x9d: {  	_ =	strace $0x8FFFFFFF  }
0x9e: {  	s20 =	sld [smem:$0x3FDB];
	_ =	sdelay $0x1  }
0x9f: {  	s10 =	simm.s32 $_scs_section_size  }
0xa0: {  	s11 =	simm.s32 $_size__tile_overlayer_lowered;
	s12 =	simm.s32 $_tile_overlayer_lowered  }
0xa1: {  	s23 =	simm.s32 $0x1BFF;
	s22 =	sshll.u32 s12, $0x1;
	s9 =	sadd.s32 s10, s20  }
0xa2: {  	s13 =	simm.s32 $0x0;
	s21 =	sshll.u32 s11, $0x1;
	s11 =	sadd.s32 s22, s9  }
0xa3: {  	[timem:s13], [sflag:s23] =	dma.local [hbm:s11], s21  }
0xa4: {  	_ =	swait.ge [sflag:s23], s21  }
0xa5: {  	s10 =	ssub.s32 $0x0, s21;
	[sflag:s23] =	ssyncset.done $0x0  }
0xa6: {  	[sflag:s23] =	ssyncadd.s32 s10;
	_ =	sdelay $0x1  }
0xa7: {  	s24 =	simm.s32 $0x1B8B  }
0xa8: {  	_ =	swait.ge [sflag:s24], $0x1  }
0xa9: {  	[sflag:s24] =	ssyncset.done $0x0  }
0xaa: {  	s25 =	simm.s32 $0x1B8E;
	[sflag:s24] =	ssyncadd.s32 $0xFFFFFFFF  }
0xab: {  	s26 =	simm.s32 $execute0_lowered;
	[smem:$0x3FD2] =	sst s25  }
0xac: {  	s10 =	sshll.u32 s26, $0x1;
	_ =	strace $0x80000046;
	[dreg:$0x1] =	wrdreg $0xFFFFFFFF  }
0xad: {  	s28 =	simm.s32 $_size_execute0_lowered;
	s9 =	sadd.s32 s9, s10;
	[dreg:$0x0] =	wrdreg $0x0  }
0xae: {  	s10 =	sshll.u32 s28, $0x1;
	[dreg:$0x2] =	wrdreg s9  }
0xaf: {  	[dreg:$0x3] =	wrdreg s10  }
0xb0: {  	[dreg:$0x4] =	wrdreg $0xC0  }
0xb1: {  	_ =	task [dreg:s13], $0x5FFFF  }
0xb2: {  	[dreg:$0x1] =	wrdreg $0xFFFFFFFF  }
0xb3: {  	[dreg:$0x0] =	wrdreg $0x60  }
0xb4: {  	[dreg:$0x2] =	wrdreg s2  }
0xb5: {  	[dreg:$0x3] =	wrdreg s19  }
0xb6: {  	[dreg:$0x4] =	wrdreg s4  }
0xb7: {  	[dreg:$0x5] =	wrdreg s5  }
0xb8: {  	[dreg:$0x6] =	wrdreg s6  }
0xb9: {  	[dreg:$0x7] =	wrdreg s7  }
0xba: {  	[dreg:$0x8] =	wrdreg s8  }
0xbb: {  	[dreg:$0x9] =	wrdreg $0x9  }
0xbc: {  	_ =	task.clear_ibuf [dreg:s13], $0xAFFFF;
	_ =	strace $0x90000046  }
0xbd: {  	s29 =	simm.s32 $0x9;
	_ =	strace $0x80000048  }
0xbe: {  	_ =	swait.ge [sflag:s29], $0x1  }
0xbf: {  	[sflag:s29] =	ssyncadd.s32 $0xFFFFFFFF  }
0xc0: {  	_ =	strace $0x90000048  }
0xc1: {  	_ =	sfence  }
0xc2: {  	s30 =	sld [smem:$0x0];
	_ =	sdelay $0x2  }
0xc3: {  	s31 =	sshll.u32 s1, $0xD;
	s1 =	sshrl.u32 s1, $0x2  }
0xc4: {  	s3 =	sand.u32 $0x4000, s31;
	s1 =	sadd.s32 s1, s30  }
0xc5: {  	s0 =	sor.u32 s3, s0;
	s1 =	sshll.u32 s1, $0x11  }
0xc6: {  	s0 =	sor.u32 s1, s0  }
0xc7: {  	s0 =	sadd.s32 $0x8F2B, s0  }
0xc8: {  	[sflag:s0] =	ssyncadd.remote.s32 $0x1  }
0xc9: {  	_ =	sfence.sel $0xFFFF  }
0xca: {  	[dreg:$0x0] =	wrdreg $0xFFFFFFFF;
	(pc) =	sbr.abs _section_cstart, $3  }
0xcb: {  	[dreg:$0x1] =	wrdreg $0xFFFFFFFF  }
0xcc: {  	_ =	task.clear_ibuf [dreg:s13], $0x2FFFF;
	_ =	strace $0x9FFFFFFF  }
0xcd: {  	(tm) =	ssettm $0x7FFFFFFF  }
tec
execute0_lowered:
.L_overlay_start_1:
0x0: {  	(tag) =	ssettag $0x1  }
0x1: {  	s1 =	srdreg.scid;
	s2 =	stileid.u32  }
0x2: {  	s0 =	rddreg [dreg:$0x0];
	s1 =	sand.u32 $0x1, s1;
	s2 =	sshll.u32 s2, $0x1  }
0x3: {  	s4 =	rddreg [dreg:$0x6];
	s2 =	sor.u32 s1, s2  }
0x4: {  	s8 =	simm.s32 $0x0;
	s11 =	simm.s32 $0x5;
	s6 =	smul.u32 $0x1400, s2  }
.Ltmp0:
0x5: {  	s9 =	simm.s32 $0x180;
	s1 =	ssub.s32 $0x2, s1;
	(pc) =	sbr.rel .LBB2_1-.Ltmp0, $4  }
0x6: {  	v2 =	vlaneseq.u32;
	v3 =	vimm.f32 $0.0e+00;
	vm0 =	vmmov $0xffff;
	s15 =	simm.s32 $0x980;
	[smem:$0x7FF] =	sst s8;
	s7 =	sshrl.u32 s1, $0x1  }
0x7: {  	v4 =	vor.u32 $0x10, v2;
	v5 =	vor.u32 $0x20, v2;
	v6 =	vor.u32 $0x30, v2;
	s5 =	smul.u32 $0x140, s2;
	s1 =	ssub.s32 s1, s7;
	s31 =	sadd.s32 s4, s6  }
0x8: {  	v7 =	vor.u32 $0x40, v2;
	v8 =	vor.u32 $0x50, v2;
	v9 =	vor.u32 $0x60, v2;
	_ =	strace $0x80000047;
	s1 =	smax.u32 s1, $0x1;
	[dreg:$0x8] =	wrdreg s31  }
0x9: {  	s17 =	simm.s32 $0x11180;
	v10 =	vor.u32 $0x70, v2;
	v0 =	vmov s2;
	s2 =	simm.s32 $0x0;
	v1 =	vmov s5;
	[dreg:$0x9] =	wrdreg s1  }
.LBB2_16:
0xa: {  	s1 =	rddreg [dreg:$0x8]  }
0xb: {  	[hbm4b:s1+s8] =	stream.linear.scatter [tilespmem:s17], [sflag:$0x5], $0xA000, $0x38;
	[tilespmem:$0x1B180] =	vst v63  }
0xc: {  	_ =	swait.ge [sflag:s11], $0xA000  }
0xd: {  	s2 =	rddreg [dreg:$0xa]  }
0xe: {  	s31 =	rddreg [dreg:$0x9];
	s2 =	sadd.s32 $0x1, s2  }
0xf: {  	p0 =	sne.s32 s2, s31  }
.Ltmp1:
0x10: {  	_ = 	snop;
	(pc) =	sbr.rel @!p0 .LBB2_17-.Ltmp1, $3  }
0x11: {  	_ =	sdelay $0x1  }
0x12: {  	[sflag:s11] =	ssyncset.done $0x0  }
0x13: {  	[sflag:s11] =	ssyncadd.s32 $0xFFFF6000  }
.LBB2_1:
0x14: {  	[dreg:$0xa] =	wrdreg s2  }
0x15: {  	s1 =	rddreg [dreg:$0x3]  }
0x16: {  	[tilespmem:s8], [sflag:$0x5] =	stream.linear.gather [hbm4b:s1+s8], $0x80, $0x38;
	[tilespmem:$0x1B180] =	vst v63  }
0x17: {  	_ =	swait.ge [sflag:s11], $0x80  }
0x18: {  	[sflag:s11] =	ssyncset.done $0x0  }
0x19: {  	[sflag:s11] =	ssyncadd.s32 $0xFFFFFF80  }
0x1a: {  	s30 =	simm.s32 $0x80;
	s29 =	rddreg [dreg:$0x4]  }
0x1b: {  	[tilespmem:s30], [sflag:$0x5] =	stream.linear.gather [hbm4b:s29+s8], $0x80, $0x38;
	[tilespmem:$0x1B180] =	vst v63  }
0x1c: {  	_ =	swait.ge [sflag:s11], $0x80  }
0x1d: {  	[sflag:s11] =	ssyncset.done $0x0  }
0x1e: {  	[sflag:s11] =	ssyncadd.s32 $0xFFFFFF80  }
0x1f: {  	s3 =	simm.s32 $0x100;
	s31 =	rddreg [dreg:$0x5]  }
0x20: {  	[tilespmem:s3], [sflag:$0x5] =	stream.linear.gather [hbm4b:s31+s8], $0x80, $0x38;
	[tilespmem:$0x1B180] =	vst v63  }
0x21: {  	_ =	swait.ge [sflag:s11], $0x80  }
0x22: {  	[sflag:s11] =	ssyncset.done $0x0  }
0x23: {  	[sflag:s11] =	ssyncadd.s32 $0xFFFFFF80  }
0x24: {  	v13 =	vld.idx.msk [tilespmem:v0+s8+$0x0], $0xffff  }
0x25: {  	v12 =	vld.idx.msk [tilespmem:v0+s30+$0x0], $0xffff  }
0x26: {  	s2 =	simm.s32 $0x40;
	s1 =	simm.s32 $0x0;
	v11 =	vld.idx.msk [tilespmem:v0+s3+$0x0], $0xffff  }
.LBB2_2:
0x27: {  	p0 =	sne.s32 s2, $0x27FC0;
	[tilespmem:s1+$0x11180] =	vst v3;
	s1 =	smov.u32 s2;
	s2 =	sadd.s32 $0x40, s2  }
.Ltmp2:
0x28: {  	(pc) =	sbr.rel @p0 .LBB2_2-.Ltmp2, $2  }
0x29: {  	_ =	sdelay $0x2  }
0x2a: {  	s1 =	sshra.s32 s1, $0x2  }
0x2b: {  	v13 =	vxor.u32 $0x80000000, v13  }
0x2c: {  	(xrf0) =	vmax.scan.msk.u32 $0xffff, v13;
	_ =	sdelay $0x5  }
0x2d: {  	v12 =	vxor.u32 $0x80000000, v12;
	v13, _, _ =	vpop (xrf0)  }
0x2e: {  	(xrf0) =	vmax.scan.msk.u32 $0xffff, v12;
	(v2sf) =	vpush v13, $0xF;
	_ =	sdelay $0x5  }
0x2f: {  	v12, _, _ =	vpop (xrf0)  }
0x30: {  	(v2sf) =	vpush v12, $0xF;
	_ =	sdelay $0x7  }
0x31: {  	s2 =	spop (v2sf)  }
0x32: {  	s19 =	sxor.u32 $0x80000000, s2  }
0x33: {  	p1 =	sgt.s32 s2, $0xFFFFFFFF;
	s4 =	sand.u32 $0x7F, s2;
	p0 =	slt.s32 s19, $0x1  }
0x34: {  	s5 =	sshra.s32 s19, $0x1F;
	p2 =	sne.s32 s4, $0x0;
	p0 =	por p1, p0  }
0x35: {  	s24 =	sshrl.u32 s5, $0x19;
	p0 =	por !p2, !p0  }
0x36: {  	s5 =	simm.s32 $0x1;
	s4 =	sadd.s32 s24, s19;
	p0 =	por !p0, !p0  }
0x37: {  	s4 =	sshrl.u32 s4, $0x7;
	s5 =	simm.s32 @!p0 $0x0  }
0x38: {  	s6 =	spop (v2sf);
	s4 =	ssub.s32 s4, s5  }
0x39: {  	s20 =	sxor.u32 $0x80000000, s6;
	s3 =	sshll.u32 s4, $0x7  }
0x3a: {  	s5 =	ssub.s32 s20, s3  }
0x3b: {  	s25 =	sadd.s32 $0x7F, s5  }
0x3c: {  	s26 =	sand.u32 $0x7F, s25  }
0x3d: {  	s7 =	sshra.s32 s25, $0x1F;
	p3 =	slt.s32 s25, $0x1;
	p4 =	sne.s32 s26, $0x0  }
0x3e: {  	s28 =	sshrl.u32 s7, $0x19;
	p0 =	por !p3, !p4  }
0x3f: {  	s6 =	simm.s32 $0x1;
	s4 =	sadd.s32 s28, s25;
	p0 =	por !p0, !p0  }
0x40: {  	s4 =	sshra.s32 s4, $0x7;
	s6 =	simm.s32 @!p0 $0x0  }
0x41: {  	s23 =	ssub.s32 s4, s6  }
0x42: {  	s4 =	sadd.s32 $0xF, s23  }
0x43: {  	s29 =	sand.u32 $0xF, s4  }
0x44: {  	p5 =	slt.s32 s23, $0xFFFFFFF2;
	p6 =	sne.s32 s29, $0x0  }
0x45: {  	s30 =	sshrl.u32 s4, $0x1C;
	p0 =	por !p5, !p6  }
0x46: {  	s6 =	simm.s32 $0x1;
	s4 =	sadd.s32 s30, s4;
	p0 =	por !p0, !p0  }
0x47: {  	s4 =	sshra.s32 s4, $0x4;
	s6 =	simm.s32 @!p0 $0x0  }
0x48: {  	s31 =	ssub.s32 s4, s6  }
0x49: {  	p0 =	slt.s32 s31, $0x1  }
.Ltmp3:
0x4a: {  	_ = 	snop;
	(pc) =	sbr.rel @p0 .LBB2_16-.Ltmp3, $3  }
0x4b: {  	_ =	sdelay $0x1  }
0x4c: {  	[dreg:$0xb] =	wrdreg s3  }
0x4d: {  	[tilespmem:s1+$0x11180] =	vst v3;
	[dreg:$0xc] =	wrdreg s31  }
.Ltmp4:
0x4e: {  	(pc) =	sbr.rel .LBB2_5-.Ltmp4, $4  }
0x4f: {  	_ = 	snop  }
0x50: {  	v22 =	vimm.f32 $0.0e+00;
	v23 =	vimm.f32 $0.0e+00;
	s1 =	rddreg [dreg:$0xb];
	v24 =	vimm.f32 $0.0e+00  }
0x51: {  	v13 =	vimm.f32 $0.0e+00;
	v14 =	vimm.f32 $0.0e+00;
	v15 =	vimm.f32 $0.0e+00;
	s1 =	ssub.s32 s2, s1  }
0x52: {  	s26 =	simm.s32 $0x0;
	s28 =	smov.u32 s23;
	v16 =	vimm.f32 $0.0e+00;
	v12 =	vimm.f32 $0.0e+00;
	vm1 =	vmmov vm0;
	s2 =	sadd.s32 $0x80000000, s1  }
.LBB2_15:
0x53: {  	s26 =	sadd.s32 $0x1, s26;
	s1 =	rddreg [dreg:$0xc]  }
0x54: {  	p0 =	sne.s32 s26, s1  }
.Ltmp5:
0x55: {  	_ = 	snop;
	(pc) =	sbr.rel @!p0 .LBB2_16-.Ltmp5, $3  }
0x56: {  	_ =	sdelay $0x1  }
0x57: {  	s5 =	sadd.s32 $0xFFFFF800, s5;
	s28 =	sadd.s32 $0xFFFFFFF0, s28  }
0x58: {  	s2 =	sadd.s32 $0xFFFFF800, s2;
	s8 =	simm.s32 $0x0;
	s9 =	simm.s32 $0x180  }
.LBB2_5:
0x59: {  	s1 =	sshll.u32 s26, $0xB;
	s3 =	rddreg [dreg:$0xb]  }
0x5a: {  	s29 =	sadd.s32 s3, s1  }
0x5b: {  	s24 =	rddreg [dreg:$0x1];
	s1 =	sshrl.u32 s29, $0x3  }
0x5c: {  	s4 =	sadd.s32 s24, s1  }
0x5d: {  	[tilespmem:s9], [sflag:$0x5] =	stream.linear.gather [hbm4b:s4+s8], $0x800, $0x38;
	[tilespmem:$0x1B180] =	vst v63  }
0x5e: {  	_ =	swait.ge [sflag:s11], $0x800  }
0x5f: {  	s31 =	sshll.u32 s26, $0x4;
	[sflag:s11] =	ssyncset.done $0x0  }
0x60: {  	s30 =	ssub.s32 s23, s31;
	[sflag:s11] =	ssyncadd.s32 $0xFFFFF800  }
0x61: {  	p0 =	slt.s32 s30, $0x1;
	s25 =	rddreg [dreg:$0x2]  }
.Ltmp6:
0x62: {  	s1 =	sadd.s32 s25, s1;
	(pc) =	sbr.rel @p0 .LBB2_15-.Ltmp6, $4  }
0x63: {  	[tilespmem:s15], [sflag:$0x5] =	stream.linear.gather [hbm4b:s1+s8], $0x800, $0x38;
	[tilespmem:$0x1B180] =	vst v63  }
0x64: {  	_ =	swait.ge [sflag:s11], $0x800  }
0x65: {  	[sflag:s11] =	ssyncset.done $0x0  }
0x66: {  	[sflag:s11] =	ssyncadd.s32 $0xFFFFF800  }
0x67: {  	s1 =	simm.s32 $0x80;
	s3 =	simm.s32 $0x1180;
	p0 =	seq.s32 s30, $0x1  }
0x68: {  	[tilespmem:s3], [sflag:$0x1] =	stream.indirect.gather [hbm4b:s0+s1], $0x80, s9, s1, $0xb8;
	[tilespmem:$0x1B180] =	vst v63  }
0x69: {  	p1 =	sgt.s32 s28, $0x1;
	s1 =	simm.s32 @!p0 $0x80  }
0x6a: {  	s4 =	simm.s32 @!p0 $0x200;
	s6 =	simm.s32 @!p0 $0x5180;
	p2 =	slt.u32 @!p0 s30, $0x3  }
0x6b: {  	[tilespmem:s6], [sflag:$0x2] =	stream.indirect.gather @!p0 [hbm4b:s0+s1], $0x80, s4, s1, $0xb8;
	[tilespmem:$0x1B180] =	vst v63  }
0x6c: {  	s25 =	smov.u32 s2;
	s1 =	smov.u32 s28;
	p0 =	por p2, p0  }
.Ltmp7:
0x6d: {  	s1 =	simm.s32 @!p1 $0x1;
	p1 =	slt.s32 s30, $0x10;
	(pc) =	sbr.rel .LBB2_7-.Ltmp7, $4  }
0x6e: {  	s4 =	simm.s32 @!p0 $0x80;
	s6 =	simm.s32 @!p0 $0x280;
	s7 =	simm.s32 @!p0 $0x9180  }
0x6f: {  	[tilespmem:s7], [sflag:$0x3] =	stream.indirect.gather @!p0 [hbm4b:s0+s4], $0x80, s6, s4, $0xb8;
	[tilespmem:$0x1B180] =	vst v63  }
0x70: {  	s22 =	smov.u32 s5;
	s31 =	smin.u32 s1, $0x10;
	s30 =	simm.s32 @!p1 $0x10  }
0x71: {  	s6 =	simm.s32 $0x0;
	s4 =	simm.s32 $0x0;
	s7 =	simm.s32 $0x0  }
.LBB2_14:
0x72: {  	s7 =	sadd.s32 $0x1, s7  }
0x73: {  	p0 =	sne.s32 s7, s31  }
.Ltmp8:
0x74: {  	_ = 	snop;
	(pc) =	sbr.rel @!p0 .LBB2_15-.Ltmp8, $3  }
0x75: {  	_ =	sdelay $0x1  }
0x76: {  	s22 =	sadd.s32 $0xFFFFFF80, s22  }
0x77: {  	s4 =	sadd.s32 $0x80, s4;
	s6 =	sadd.s32 $0x1, s6;
	s25 =	sadd.s32 $0xFFFFFF80, s25  }
.LBB2_7:
0x78: {  	s1 =	sand.u32 $0x3, s7;
	s9 =	sadd.s32 $0x3, s7  }
0x79: {  	s1 =	sadd.s32 $0x1, s1;
	p0 =	sge.s32 s9, s30  }
0x7a: {  	s18 =	sshll.u32 s7, $0x7;
	_ =	swait.ge [sflag:s1], $0x4000;
	s10 =	sand.u32 @!p0 $0x3, s9  }
0x7b: {  	s9 =	sshll.u32 @!p0 s9, $0x9;
	[sflag:s1] =	ssyncset.done $0x0;
	s12 =	sshll.u32 @!p0 s10, $0xE  }
0x7c: {  	s9 =	sshra.s32 @!p0 s9, $0x2;
	s10 =	sadd.s32 @!p0 $0x1, s10;
	[sflag:s1] =	ssyncadd.s32 $0xFFFFC000  }
0x7d: {  	s1 =	sor.u32 @!p0 $0x1180, s12;
	s9 =	sadd.s32 @!p0 $0x180, s9;
	s12 =	simm.s32 @!p0 $0x80  }
0x7e: {  	[tilespmem:s1], [sflag:s10] =	stream.indirect.gather @!p0 [hbm4b:s0+s12], $0x80, s9, s12, $0xb8;
	[tilespmem:$0x1B180] =	vst v63  }
0x7f: {  	s1 =	sadd.s32 s29, s18  }
0x80: {  	s9 =	ssub.s32 s19, s1;
	s1 =	ssub.s32 s20, s1  }
0x81: {  	p0 =	sgt.s32 s9, $0x0;
	p1 =	sgt.s32 s1, $0x0  }
0x82: {  	s9 =	simm.s32 @!p0 $0x0;
	s1 =	simm.s32 @!p1 $0x0  }
0x83: {  	s12 =	smin.u32 s9, $0x80;
	s9 =	smin.u32 s1, $0x80  }
0x84: {  	s1 =	ssub.s32 s9, s12  }
0x85: {  	s21 =	sshll.u32 s1, $0x10  }
0x86: {  	s10 =	sshra.s32 s21, $0x1F  }
0x87: {  	s10 =	sand.u32 $0x7, s10  }
0x88: {  	s10 =	sadd.s32 s10, s1  }
0x89: {  	s10 =	sand.u32 $0xFFF8, s10  }
0x8a: {  	s10 =	ssub.s32 s1, s10  }
0x8b: {  	s10 =	sshll.u32 s10, $0x10  }
0x8c: {  	s13 =	sshra.s32 s10, $0x10  }
0x8d: {  	s1 =	ssub.s32 s1, s13  }
0x8e: {  	p0 =	slt.s32 s1, $0x1  }
.Ltmp9:
0x8f: {  	_ = 	snop;
	(pc) =	sbr.rel @p0 .LBB2_11-.Ltmp9, $3  }
0x90: {  	_ =	sdelay $0x1  }
0x91: {  	s24 =	sshll.u32 s6, $0x10  }
0x92: {  	s10 =	sand.u32 $0x30000, s24;
	s16 =	sadd.s32 s12, s1  }
0x93: {  	s18 =	sadd.s32 s12, s4  }
0x94: {  	v17 =	vmov s18;
	s3 =	sadd.s32 $0x1, s18  }
0x95: {  	p0 =	sgt.s32 s25, $0x0;
	s1 =	smov.u32 s25;
	s8 =	sadd.s32 $0x2, s18;
	v18 =	vmov s3  }
0x96: {  	s1 =	simm.s32 @!p0 $0x0;
	v19 =	vmov s8  }
0x97: {  	s14 =	sadd.s32 $0x3, s18;
	s1 =	smin.u32 s1, $0x80  }
0x98: {  	v20 =	vmov s14;
	s1 =	sshll.u32 s1, $0x9  }
0x99: {  	s24 =	sadd.s32 $0x5, s18;
	s1 =	sadd.s32 s1, s10;
	v17 =	vld.idx.msk [tilespmem:v17+s15+$0x0], $0xffff  }
0x9a: {  	s14 =	sadd.s32 $0x4, s18;
	v30 =	vmov s24;
	s1 =	sshrl.u32 s1, $0x2;
	v18 =	vld.idx.msk [tilespmem:v18+s15+$0x0], $0xffff  }
0x9b: {  	s21 =	sadd.s32 $0x7, s18;
	v29 =	vmov s14;
	s1 =	sadd.s32 $0x1380, s1;
	v19 =	vld.idx.msk [tilespmem:v19+s15+$0x0], $0xffff  }
0x9c: {  	v27 =	vmov s21;
	v32 =	vld [tilespmem:s1+$0xFFFFFE00]  }
0x9d: {  	v25 =	vsub.s32 v11, v1;
	s18 =	sadd.s32 $0x6, s18;
	v20 =	vld.idx.msk [tilespmem:v20+s15+$0x0], $0xffff  }
0x9e: {  	v25 =	vshll.u32 v25, $0x7;
	v31 =	vmov s18  }
0x9f: {  	v33 =	vor.u32 v2, v25;
	v35 =	vor.u32 v4, v25;
	v37 =	vor.u32 v5, v25;
	v30 =	vld.idx.msk [tilespmem:v30+s15+$0x0], $0xffff  }
0xa0: {  	v45 =	vor.u32 v7, v25;
	v29 =	vld.idx.msk [tilespmem:v29+s15+$0x0], $0xffff;
	vm3 =	vne.s32 v17, v11;
	v11 =	vsub.s32 v17, v1  }
0xa1: {  	v26 =	vshll.u32 v11, $0x7;
	vm6 =	vne.s32 v18, v17;
	v11 =	vld.idx.msk [tilespmem:v27+s15+$0x0], $0xffff;
	v27 =	vsub.s32 v18, v1  }
0xa2: {  	v36 =	vld [tilespmem:s1+$0xFFFFFE80];
	v12 =	vmax.f32 v12, v32;
	vm7 =	vne.s32 v19, v18;
	vm2 =	vne.s32 v20, v19  }
0xa3: {  	v18 =	vld.idx.msk [tilespmem:v31+s15+$0x0], $0xffff;
	v49 =	vsub.s32 v20, v1;
	v17 =	vor.u32 v2, v26;
	v38 =	vor.u32 v4, v26  }
0xa4: {  	v39 =	vor.u32 v5, v26;
	v34 =	vshll.u32 v27, $0x7;
	v12 =	vsel vm1, v32, v12  }
0xa5: {  	v28 =	vld [tilespmem:s1+$0xFFFFFF00];
	v27 =	vsub.s32 v19, v1;
	vm4 =	vne.s32 v29, v20;
	vm5 =	vne.s32 v30, v29  }
0xa6: {  	v46 =	vor.u32 v7, v26;
	v31 =	vor.u32 v2, v34;
	v27 =	vshll.u32 v27, $0x7  }
0xa7: {  	v48 =	vor.u32 v2, v27;
	v50 =	vor.u32 v4, v27;
	v63 =	vor.u32 v5, v27  }
0xa8: {  	vm9 =	vmmov vm1;
	v21 =	vld [tilespmem:s1+$0xFFFFFF80];
	[tilespmem:v33+s17+$0x0] =	vst.idx.msk vm3, v12;
	v12 =	vmax.f32 v12, v36;
	vm1 =	vne.s32 v11, v18  }
0xa9: {  	v40 =	vld [tilespmem:s1+$0x0];
	vm8 =	vne.s32 v18, v30;
	v30 =	vsub.s32 v30, v1;
	v12 =	vsel vm3, v36, v12  }
0xaa: {  	v33 =	vor.u32 v8, v27;
	v19 =	vld [tilespmem:s1+$0xFFFFFE10];
	[tilespmem:v17+s17+$0x0] =	vst.idx.msk vm6, v12;
	v12 =	vmax.f32 v12, v28;
	v17 =	vshll.u32 v49, $0x7  }
0xab: {  	v49 =	vor.u32 v6, v26;
	v12 =	vsel vm6, v28, v12;
	v20 =	vor.u32 v2, v17  }
0xac: {  	v51 =	vld [tilespmem:s1+$0xFFFFFE90];
	v28 =	vsub.s32 v18, v1;
	v43 =	vor.u32 v4, v17;
	v47 =	vor.u32 v7, v17  }
0xad: {  	[tilespmem:v31+s17+$0x0] =	vst.idx.msk vm7, v12;
	v12 =	vmax.f32 v12, v21;
	v18 =	vshll.u32 v28, $0x7;
	v28 =	vor.u32 v9, v26  }
0xae: {  	v31 =	vld [tilespmem:s1+$0x80];
	v12 =	vsel vm7, v21, v12;
	v21 =	vsub.s32 v29, v1;
	v57 =	vor.u32 v2, v18  }
0xaf: {  	v52 =	vld [tilespmem:s1+$0xFFFFFF10];
	v16 =	vmax.f32 v16, v19;
	[tilespmem:v48+s17+$0x0] =	vst.idx.msk vm2, v12;
	v12 =	vmax.f32 v12, v40  }
0xb0: {  	v29 =	vld [tilespmem:s1+$0x100];
	v48 =	vor.u32 v6, v25;
	v16 =	vsel vm9, v19, v16;
	v12 =	vsel vm2, v40, v12  }
0xb1: {  	v32 =	vld [tilespmem:s1+$0xFFFFFF90];
	v19 =	vshll.u32 v21, $0x7;
	v21 =	vor.u32 v10, v34;
	[tilespmem:v35+s17+$0x0] =	vst.idx.msk vm3, v16;
	v16 =	vmax.f32 v16, v51  }
0xb2: {  	v55 =	vld [tilespmem:s1+$0x180];
	v53 =	vor.u32 v2, v19;
	[tilespmem:v20+s17+$0x0] =	vst.idx.msk vm4, v12;
	v20 =	vshll.u32 v30, $0x7;
	v36 =	vor.u32 v4, v19  }
0xb3: {  	v41 =	vld [tilespmem:s1+$0xFFFFFE20];
	v16 =	vsel vm3, v51, v16;
	v54 =	vmax.f32 v12, v31;
	v59 =	vor.u32 v4, v20  }
0xb4: {  	v56 =	vld [tilespmem:s1+$0x10];
	[tilespmem:v38+s17+$0x0] =	vst.idx.msk vm6, v16;
	v30 =	vsel vm4, v31, v54;
	v12 =	vmax.f32 v16, v52  }
0xb5: {  	v16 =	vor.u32 v4, v34;
	v44 =	vmax.f32 v30, v29;
	v35 =	vsel vm6, v52, v12  }
0xb6: {  	v31 =	vor.u32 v2, v20;
	v44 =	vsel vm5, v29, v44;
	v12 =	vmax.f32 v35, v32  }
0xb7: {  	v54 =	vor.u32 v4, v18;
	v32 =	vsel vm7, v32, v12;
	v12 =	vmax.f32 v44, v55  }
0xb8: {  	v42 =	vld [tilespmem:s1+$0xFFFFFEA0];
	[tilespmem:v53+s17+$0x0] =	vst.idx.msk vm5, v30;
	v30 =	vor.u32 v8, v19;
	v15 =	vmax.f32 v15, v41  }
0xb9: {  	[tilespmem:v50+s17+$0x0] =	vst.idx.msk vm2, v32;
	v12 =	vsel vm8, v55, v12;
	v32 =	vmax.f32 v32, v56  }
0xba: {  	v61 =	vld [tilespmem:s1+$0x90];
	v50 =	vor.u32 v5, v17;
	v15 =	vsel vm9, v41, v15;
	[tilespmem:v16+s17+$0x0] =	vst.idx.msk vm7, v35  }
0xbb: {  	[tilespmem:v31+s17+$0x0] =	vst.idx.msk vm8, v44;
	v16 =	vsel vm2, v56, v32;
	v31 =	vor.u32 v9, v25;
	v58 =	vld [tilespmem:s1+$0xFFFFFF20]  }
0xbc: {  	v32 =	vor.u32 v8, v34;
	v35 =	vor.u32 v8, v26;
	[tilespmem:v37+s17+$0x0] =	vst.idx.msk vm3, v15;
	v51 =	vld [tilespmem:s1+$0x110]  }
0xbd: {  	v44 =	vor.u32 v8, v25;
	[tilespmem:v57+s17+$0x0] =	vst.idx.msk vm1, v12;
	v29 =	vmax.f32 v15, v42;
	v62 =	vld [tilespmem:s1+$0xFFFFFE30]  }
0xbe: {  	v60 =	vld [tilespmem:s1+$0xFFFFFFA0];
	v15 =	vor.u32 v5, v34;
	[tilespmem:v43+s17+$0x0] =	vst.idx.msk vm4, v16;
	v43 =	vor.u32 v5, v19  }
0xbf: {  	v42 =	vsel vm3, v42, v29;
	v29 =	vor.u32 v9, v34;
	v16 =	vmax.f32 v16, v61  }
0xc0: {  	v57 =	vld [tilespmem:s1+$0x190];
	[tilespmem:v39+s17+$0x0] =	vst.idx.msk vm6, v42;
	v39 =	vor.u32 v5, v20;
	v16 =	vsel vm4, v61, v16  }
0xc1: {  	v52 =	vld [tilespmem:s1+$0xFFFFFEB0];
	v61 =	vor.u32 v6, v27;
	v42 =	vmax.f32 v42, v58;
	[tilespmem:v36+s17+$0x0] =	vst.idx.msk vm5, v16  }
0xc2: {  	v53 =	vld [tilespmem:s1+$0x20];
	v16 =	vmax.f32 v16, v51;
	v38 =	vsel vm6, v58, v42;
	v14 =	vmax.f32 v14, v62  }
0xc3: {  	v16 =	vsel vm5, v51, v16;
	[tilespmem:v15+s17+$0x0] =	vst.idx.msk vm7, v38;
	v15 =	vmax.f32 v38, v60  }
0xc4: {  	v36 =	vld [tilespmem:s1+$0xA0];
	v14 =	vsel vm9, v62, v14;
	[tilespmem:v59+s17+$0x0] =	vst.idx.msk vm8, v16;
	v62 =	vor.u32 v6, v17  }
0xc5: {  	v16 =	vmax.f32 v16, v57;
	v15 =	vsel vm7, v60, v15;
	[tilespmem:v48+s17+$0x0] =	vst.idx.msk vm3, v14;
	v58 =	vld [tilespmem:s1+$0xFFFFFF30]  }
0xc6: {  	v14 =	vmax.f32 v14, v52;
	v59 =	vld [tilespmem:s1+$0x120];
	v60 =	vor.u32 v6, v34;
	v34 =	vor.u32 v7, v34  }
0xc7: {  	v16 =	vsel vm8, v57, v16;
	v40 =	vmax.f32 v15, v53;
	[tilespmem:v63+s17+$0x0] =	vst.idx.msk vm2, v15;
	v48 =	vld [tilespmem:s1+$0xFFFFFE40]  }
0xc8: {  	v14 =	vsel vm3, v52, v14;
	[tilespmem:v54+s17+$0x0] =	vst.idx.msk vm1, v16;
	v15 =	vsel vm2, v53, v40;
	v42 =	vld [tilespmem:s1+$0xFFFFFFB0]  }
0xc9: {  	v52 =	vor.u32 v5, v18;
	v57 =	vld [tilespmem:s1+$0x1A0];
	[tilespmem:v50+s17+$0x0] =	vst.idx.msk vm4, v15;
	v15 =	vmax.f32 v15, v36  }
0xca: {  	[tilespmem:v49+s17+$0x0] =	vst.idx.msk vm6, v14;
	v63 =	vld [tilespmem:s1+$0x30];
	v15 =	vsel vm4, v36, v15;
	v14 =	vmax.f32 v14, v58  }
0xcb: {  	v56 =	vld [tilespmem:s1+$0xFFFFFEC0];
	v36 =	vmax.f32 v15, v59;
	[tilespmem:v43+s17+$0x0] =	vst.idx.msk vm5, v15;
	v14 =	vsel vm6, v58, v14  }
0xcc: {  	v36 =	vsel vm5, v59, v36;
	v13 =	vmax.f32 v13, v48;
	[tilespmem:v60+s17+$0x0] =	vst.idx.msk vm7, v14  }
0xcd: {  	v14 =	vmax.f32 v14, v42;
	[tilespmem:v39+s17+$0x0] =	vst.idx.msk vm8, v36;
	v13 =	vsel vm9, v48, v13;
	v60 =	vld [tilespmem:s1+$0xB0]  }
0xce: {  	v50 =	vor.u32 v7, v20;
	v58 =	vld [tilespmem:s1+$0xFFFFFF40];
	v14 =	vsel vm7, v42, v14;
	[tilespmem:v45+s17+$0x0] =	vst.idx.msk vm3, v13  }
0xcf: {  	v36 =	vmax.f32 v36, v57;
	v59 =	vmax.f32 v14, v63;
	[tilespmem:v61+s17+$0x0] =	vst.idx.msk vm2, v14;
	v54 =	vld [tilespmem:s1+$0xFFFFFE50]  }
0xd0: {  	v15 =	vmax.f32 v13, v56;
	v13 =	vor.u32 v6, v19;
	v14 =	vsel vm2, v63, v59;
	v40 =	vld [tilespmem:s1+$0xFFFFFFC0]  }
0xd1: {  	v15 =	vsel vm3, v56, v15;
	v61 =	vor.u32 v7, v27;
	[tilespmem:v62+s17+$0x0] =	vst.idx.msk vm4, v14;
	v62 =	vld [tilespmem:s1+$0x130]  }
0xd2: {  	v56 =	vor.u32 v6, v20;
	[tilespmem:v46+s17+$0x0] =	vst.idx.msk vm6, v15;
	v59 =	vor.u32 v6, v18;
	v63 =	vld [tilespmem:s1+$0x40]  }
0xd3: {  	v14 =	vmax.f32 v14, v60;
	v53 =	vmax.f32 v15, v58;
	v15 =	vsel vm8, v57, v36  }
0xd4: {  	v46 =	vld [tilespmem:s1+$0xFFFFFED0];
	v14 =	vsel vm4, v60, v14;
	v55 =	vsel vm6, v58, v53;
	[tilespmem:v52+s17+$0x0] =	vst.idx.msk vm1, v15  }
0xd5: {  	[tilespmem:v13+s17+$0x0] =	vst.idx.msk vm5, v14;
	v24 =	vmax.f32 v24, v54;
	v58 =	vld [tilespmem:s1+$0x1B0];
	v37 =	vmax.f32 v55, v40  }
0xd6: {  	[tilespmem:v34+s17+$0x0] =	vst.idx.msk vm7, v55;
	v37 =	vsel vm7, v40, v37;
	v13 =	vmax.f32 v14, v62  }
0xd7: {  	v60 =	vld [tilespmem:s1+$0xFFFFFF50];
	[tilespmem:v61+s17+$0x0] =	vst.idx.msk vm2, v37;
	v14 =	vmax.f32 v37, v63;
	v13 =	vsel vm5, v62, v13  }
0xd8: {  	v61 =	vld [tilespmem:s1+$0xC0];
	v63 =	vsel vm2, v63, v14;
	[tilespmem:v56+s17+$0x0] =	vst.idx.msk vm8, v13;
	v14 =	vsel vm9, v54, v24  }
0xd9: {  	v57 =	vor.u32 v7, v19;
	v62 =	vld [tilespmem:s1+$0xFFFFFFD0];
	[tilespmem:v47+s17+$0x0] =	vst.idx.msk vm4, v63;
	v36 =	vmax.f32 v14, v46  }
0xda: {  	v24 =	vld [tilespmem:s1+$0x140];
	[tilespmem:v44+s17+$0x0] =	vst.idx.msk vm3, v14;
	v13 =	vmax.f32 v13, v58;
	v36 =	vsel vm3, v46, v36  }
0xdb: {  	v34 =	vor.u32 v8, v20;
	v14 =	vsel vm8, v58, v13;
	v13 =	vld [tilespmem:s1+$0xFFFFFE60];
	[tilespmem:v35+s17+$0x0] =	vst.idx.msk vm6, v36  }
0xdc: {  	v54 =	vor.u32 v7, v18;
	v49 =	vld [tilespmem:s1+$0x50];
	v51 =	vmax.f32 v36, v60;
	[tilespmem:v59+s17+$0x0] =	vst.idx.msk vm1, v14  }
0xdd: {  	v52 =	vmax.f32 v63, v61;
	v35 =	vsel vm6, v60, v51;
	v63 =	vor.u32 v8, v17;
	v39 =	vld [tilespmem:s1+$0x1C0]  }
0xde: {  	v53 =	vld [tilespmem:s1+$0xFFFFFEE0];
	v36 =	vsel vm4, v61, v52;
	v55 =	vmax.f32 v35, v62;
	[tilespmem:v32+s17+$0x0] =	vst.idx.msk vm7, v35  }
0xdf: {  	[tilespmem:v57+s17+$0x0] =	vst.idx.msk vm5, v36;
	v56 =	vmax.f32 v36, v24;
	v57 =	vsel vm7, v62, v55;
	v59 =	vld [tilespmem:s1+$0xFFFFFF60]  }
0xe0: {  	v58 =	vld [tilespmem:s1+$0xD0];
	v24 =	vsel vm5, v24, v56;
	[tilespmem:v33+s17+$0x0] =	vst.idx.msk vm2, v57;
	v23 =	vmax.f32 v23, v13  }
0xe1: {  	v32 =	vmax.f32 v57, v49;
	[tilespmem:v50+s17+$0x0] =	vst.idx.msk vm8, v24;
	v13 =	vsel vm9, v13, v23  }
0xe2: {  	v60 =	vsel vm2, v49, v32;
	v61 =	vld [tilespmem:s1+$0xFFFFFFE0];
	v23 =	vmax.f32 v24, v39;
	[tilespmem:v31+s17+$0x0] =	vst.idx.msk vm3, v13  }
0xe3: {  	[tilespmem:v63+s17+$0x0] =	vst.idx.msk vm4, v60;
	v31 =	vmax.f32 v13, v53;
	v13 =	vsel vm8, v39, v23;
	v23 =	vld [tilespmem:s1+$0xFFFFFE70]  }
0xe4: {  	s12 =	sadd.s32 $0x8, s12;
	v62 =	vor.u32 v9, v27;
	v33 =	vld [tilespmem:s1+$0x150];
	v31 =	vsel vm3, v53, v31;
	[tilespmem:v54+s17+$0x0] =	vst.idx.msk vm1, v13  }
0xe5: {  	p0 =	slt.s32 s12, s16;
	v32 =	vmax.f32 v60, v58;
	[tilespmem:v28+s17+$0x0] =	vst.idx.msk vm6, v31;
	v28 =	vmax.f32 v31, v59  }
.Ltmp10:
0xe6: {  	v31 =	vor.u32 v10, v25;
	v35 =	vsel vm4, v58, v32;
	v28 =	vsel vm6, v59, v28;
	v32 =	vld [tilespmem:s1+$0xFFFFFEF0];
	(pc) =	sbr.rel @!p0 .LBB2_10-.Ltmp10, $4  }
0xe7: {  	v25 =	vor.u32 v10, v26;
	v24 =	vld [tilespmem:s1+$0x1D0];
	[tilespmem:v29+s17+$0x0] =	vst.idx.msk vm7, v28;
	v26 =	vmax.f32 v28, v61  }
0xe8: {  	[tilespmem:v30+s17+$0x0] =	vst.idx.msk vm5, v35;
	v29 =	vsel vm7, v61, v26;
	v30 =	vmax.f32 v22, v23;
	v22 =	vld [tilespmem:s1+$0xFFFFFF70]  }
0xe9: {  	v35 =	vmax.f32 v35, v33;
	v28 =	vld [tilespmem:s1+$0xE0];
	[tilespmem:v62+s17+$0x0] =	vst.idx.msk vm2, v29  }
0xea: {  	s18 =	smov.u32 s1;
	v26 =	vor.u32 v10, v27;
	v27 =	vor.u32 v8, v18;
	v30 =	vsel vm9, v23, v30;
	v23 =	vld [tilespmem:s1+$0xFFFFFFF0]  }
.LBB2_9:
0xeb: {  	[tilespmem:v31+s17+$0x0] =	vst.idx.msk vm3, v30;
	v30 =	vmax.f32 v30, v32;
	v31 =	vld [tilespmem:s1+$0x60];
	v36 =	vor.u32 v9, v17;
	s18 =	sadd.s32 $0x400, s18;
	vm9 =	vmmov vm1;
	s3 =	smov.u32 s12;
	s12 =	sadd.s32 $0x8, s12  }
0xec: {  	v33 =	vsel vm5, v33, v35;
	p0 =	slt.s32 s12, s16;
	v30 =	vsel vm3, v32, v30;
	v32 =	vor.u32 v9, v19  }
0xed: {  	v35 =	vmax.f32 v30, v22;
	[tilespmem:v34+s17+$0x0] =	vst.idx.msk vm8, v33;
	v33 =	vmax.f32 v33, v24  }
0xee: {  	[tilespmem:v25+s17+$0x0] =	vst.idx.msk vm6, v30;
	v25 =	vsel vm6, v22, v35;
	v30 =	vld [tilespmem:s1+$0x160];
	v22 =	vsel vm8, v24, v33  }
0xef: {  	v33 =	vor.u32 v9, v20;
	v24 =	vmax.f32 v25, v23;
	[tilespmem:v27+s17+$0x0] =	vst.idx.msk vm1, v22  }
0xf0: {  	[tilespmem:v21+s17+$0x0] =	vst.idx.msk vm7, v25;
	v21 =	vsel vm7, v23, v24;
	v23 =	vmax.f32 v29, v31;
	v24 =	vld [tilespmem:s1+$0x1E0]  }
0xf1: {  	[tilespmem:v26+s17+$0x0] =	vst.idx.msk vm2, v21;
	v23 =	vsel vm2, v31, v23  }
0xf2: {  	v25 =	vor.u32 v9, v18;
	[tilespmem:v36+s17+$0x0] =	vst.idx.msk vm4, v23;
	v23 =	vmax.f32 v23, v28  }
0xf3: {  	v26 =	vld [tilespmem:s1+$0x70];
	v23 =	vsel vm4, v28, v23  }
0xf4: {  	[tilespmem:v32+s17+$0x0] =	vst.idx.msk vm5, v23;
	v23 =	vmax.f32 v23, v30  }
0xf5: {  	v17 =	vor.u32 v10, v17;
	s3 =	sadd.s32 s3, s4;
	v19 =	vor.u32 v10, v19;
	v27 =	vld [tilespmem:s1+$0xF0];
	v23 =	vsel vm5, v30, v23  }
0xf6: {  	s14 =	sadd.s32 $0x1, s3;
	s8 =	sadd.s32 $0x2, s3;
	s24 =	sadd.s32 $0x3, s3;
	v20 =	vor.u32 v10, v20;
	v28 =	vmov s3;
	[tilespmem:v33+s17+$0x0] =	vst.idx.msk vm8, v23;
	v23 =	vmax.f32 v23, v24  }
0xf7: {  	s21 =	sadd.s32 $0x6, s3;
	v29 =	vmov s14;
	s14 =	sadd.s32 $0x5, s3;
	v30 =	vmov s8;
	s8 =	sadd.s32 $0x4, s3;
	v31 =	vld [tilespmem:s1+$0x170];
	v24 =	vsel vm8, v24, v23  }
0xf8: {  	s3 =	sadd.s32 $0x7, s3;
	v32 =	vmov s8;
	v33 =	vmov s14;
	v21 =	vmax.f32 v21, v26;
	[tilespmem:v25+s17+$0x0] =	vst.idx.msk vm1, v24  }
0xf9: {  	v35 =	vmov s21;
	v34 =	vmov s3;
	v21 =	vsel vm2, v26, v21;
	v23 =	vld [tilespmem:s1+$0x1F0];
	s1 =	smov.u32 s18  }
0xfa: {  	v18 =	vor.u32 v10, v18;
	[tilespmem:v17+s17+$0x0] =	vst.idx.msk vm4, v21;
	v17 =	vmax.f32 v21, v27  }
0xfb: {  	v21 =	vld.idx.msk [tilespmem:v28+s15+$0x0], $0xffff;
	v17 =	vsel vm4, v27, v17  }
0xfc: {  	v26 =	vmov s24;
	v28 =	vld [tilespmem:s18+$0xFFFFFF80];
	[tilespmem:v19+s17+$0x0] =	vst.idx.msk vm5, v17;
	v17 =	vmax.f32 v17, v31  }
0xfd: {  	v19 =	vld.idx.msk [tilespmem:v29+s15+$0x0], $0xffff;
	v17 =	vsel vm5, v31, v17  }
0xfe: {  	v29 =	vld [tilespmem:s18+$0xFFFFFF00];
	[tilespmem:v20+s17+$0x0] =	vst.idx.msk vm8, v17;
	v17 =	vmax.f32 v17, v23  }
0xff: {  	v20 =	vld.idx.msk [tilespmem:v30+s15+$0x0], $0xffff;
	v23 =	vsel vm8, v23, v17  }
0x100: {  	v17 =	vsub.s32 v11, v1;
	v27 =	vld [tilespmem:s18+$0xFFFFFE00];
	[tilespmem:v18+s17+$0x0] =	vst.idx.msk vm1, v23  }
0x101: {  	vm3 =	vne.s32 v21, v11;
	v25 =	vshll.u32 v17, $0x7;
	v11 =	vsub.s32 v21, v1;
	v18 =	vld.idx.msk [tilespmem:v26+s15+$0x0], $0xffff  }
0x102: {  	v17 =	vor.u32 v2, v25;
	v31 =	vor.u32 v4, v25;
	v26 =	vshll.u32 v11, $0x7;
	v36 =	vld [tilespmem:s18+$0xFFFFFE80]  }
0x103: {  	v30 =	vor.u32 v5, v25;
	vm6 =	vne.s32 v19, v21;
	v21 =	vor.u32 v2, v26;
	v11 =	vld.idx.msk [tilespmem:v34+s15+$0x0], $0xffff  }
0x104: {  	v37 =	vor.u32 v4, v26;
	v38 =	vor.u32 v5, v26;
	v34 =	vsub.s32 v19, v1;
	v32 =	vld.idx.msk [tilespmem:v32+s15+$0x0], $0xffff  }
0x105: {  	vm7 =	vne.s32 v20, v19;
	v34 =	vshll.u32 v34, $0x7;
	v12 =	vmax.f32 v12, v27;
	v19 =	vld.idx.msk [tilespmem:v35+s15+$0x0], $0xffff  }
0x106: {  	v35 =	vor.u32 v2, v34;
	v12 =	vsel vm1, v27, v12;
	v27 =	vsub.s32 v20, v1;
	v33 =	vld.idx.msk [tilespmem:v33+s15+$0x0], $0xffff  }
0x107: {  	vm2 =	vne.s32 v18, v20;
	[tilespmem:v17+s17+$0x0] =	vst.idx.msk vm3, v12;
	v12 =	vmax.f32 v12, v36;
	v27 =	vshll.u32 v27, $0x7  }
0x108: {  	v17 =	vsub.s32 v18, v1;
	v20 =	vld [tilespmem:s18+$0xFFFFFE10];
	v12 =	vsel vm3, v36, v12;
	v36 =	vor.u32 v2, v27  }
0x109: {  	v39 =	vor.u32 v4, v27;
	v17 =	vshll.u32 v17, $0x7;
	[tilespmem:v21+s17+$0x0] =	vst.idx.msk vm6, v12;
	v12 =	vmax.f32 v12, v29;
	v21 =	vld [tilespmem:s18+$0x0]  }
0x10a: {  	vm4 =	vne.s32 v32, v18;
	v40 =	vld [tilespmem:s18+$0xFFFFFE90];
	v12 =	vsel vm6, v29, v12;
	v29 =	vor.u32 v2, v17  }
0x10b: {  	vm1 =	vne.s32 v11, v19;
	[tilespmem:v35+s17+$0x0] =	vst.idx.msk vm7, v12;
	v12 =	vmax.f32 v12, v28  }
0x10c: {  	v18 =	vsub.s32 v19, v1;
	vm5 =	vne.s32 v33, v32;
	v12 =	vsel vm7, v28, v12;
	v35 =	vld [tilespmem:s18+$0x80]  }
0x10d: {  	v28 =	vsub.s32 v32, v1;
	v16 =	vmax.f32 v16, v20;
	[tilespmem:v36+s17+$0x0] =	vst.idx.msk vm2, v12;
	v32 =	vld [tilespmem:s18+$0x100]  }
0x10e: {  	vm8 =	vne.s32 v19, v33;
	v16 =	vsel vm9, v20, v16;
	v36 =	vld [tilespmem:s18+$0xFFFFFF90];
	v12 =	vmax.f32 v12, v21  }
0x10f: {  	v19 =	vshll.u32 v28, $0x7;
	v20 =	vsub.s32 v33, v1;
	[tilespmem:v31+s17+$0x0] =	vst.idx.msk vm3, v16;
	v16 =	vmax.f32 v16, v40;
	v31 =	vld [tilespmem:s18+$0xFFFFFF10]  }
0x110: {  	v12 =	vsel vm2, v21, v12;
	v33 =	vld [tilespmem:s18+$0xFFFFFE20];
	v16 =	vsel vm3, v40, v16;
	v40 =	vor.u32 v2, v19  }
0x111: {  	v18 =	vshll.u32 v18, $0x7;
	v21 =	vor.u32 v10, v34;
	[tilespmem:v37+s17+$0x0] =	vst.idx.msk vm6, v16;
	v37 =	vmax.f32 v12, v35;
	v41 =	vld [tilespmem:s18+$0x180]  }
0x112: {  	v43 =	vor.u32 v4, v17;
	v20 =	vshll.u32 v20, $0x7;
	v42 =	vld [tilespmem:s18+$0xFFFFFEA0];
	[tilespmem:v29+s17+$0x0] =	vst.idx.msk vm4, v12  }
0x113: {  	v28 =	vor.u32 v9, v26;
	v35 =	vsel vm4, v35, v37;
	v37 =	vor.u32 v2, v20  }
0x114: {  	v29 =	vmax.f32 v35, v32;
	v12 =	vmax.f32 v16, v31;
	v16 =	vor.u32 v4, v34;
	v44 =	vld [tilespmem:s18+$0x10]  }
0x115: {  	v32 =	vsel vm5, v32, v29;
	v15 =	vmax.f32 v15, v33;
	v31 =	vsel vm6, v31, v12  }
0x116: {  	v45 =	vor.u32 v2, v18;
	v15 =	vsel vm9, v33, v15;
	v12 =	vmax.f32 v31, v36  }
0x117: {  	v29 =	vmax.f32 v15, v42;
	v33 =	vsel vm7, v36, v12;
	v12 =	vmax.f32 v32, v41  }
0x118: {  	v42 =	vsel vm3, v42, v29;
	[tilespmem:v39+s17+$0x0] =	vst.idx.msk vm2, v33;
	v12 =	vsel vm8, v41, v12  }
0x119: {  	v29 =	vor.u32 v9, v34;
	v33 =	vmax.f32 v33, v44;
	[tilespmem:v37+s17+$0x0] =	vst.idx.msk vm8, v32  }
0x11a: {  	v39 =	vor.u32 v4, v19;
	[tilespmem:v16+s17+$0x0] =	vst.idx.msk vm7, v31;
	v16 =	vsel vm2, v44, v33  }
0x11b: {  	v32 =	vor.u32 v8, v34;
	v31 =	vor.u32 v9, v25;
	v41 =	vld [tilespmem:s18+$0xFFFFFFA0];
	[tilespmem:v40+s17+$0x0] =	vst.idx.msk vm5, v35  }
0x11c: {  	v35 =	vor.u32 v8, v26;
	v40 =	vor.u32 v4, v20;
	[tilespmem:v38+s17+$0x0] =	vst.idx.msk vm6, v42;
	v38 =	vld [tilespmem:s18+$0xFFFFFF20]  }
0x11d: {  	v36 =	vor.u32 v8, v25;
	v33 =	vor.u32 v8, v27;
	v44 =	vld [tilespmem:s18+$0xFFFFFEB0];
	[tilespmem:v45+s17+$0x0] =	vst.idx.msk vm1, v12  }
0x11e: {  	[tilespmem:v30+s17+$0x0] =	vst.idx.msk vm3, v15;
	v15 =	vor.u32 v5, v34;
	v45 =	vld [tilespmem:s18+$0x90];
	v30 =	vor.u32 v8, v19  }
0x11f: {  	v47 =	vor.u32 v7, v25;
	v48 =	vor.u32 v7, v26;
	v37 =	vor.u32 v7, v17;
	v46 =	vld [tilespmem:s18+$0xFFFFFE30]  }
0x120: {  	v49 =	vor.u32 v6, v25;
	v50 =	vor.u32 v6, v26;
	v51 =	vor.u32 v5, v17;
	v52 =	vld [tilespmem:s18+$0x110]  }
0x121: {  	v42 =	vmax.f32 v42, v38;
	[tilespmem:v43+s17+$0x0] =	vst.idx.msk vm4, v16;
	v43 =	vor.u32 v5, v19;
	v53 =	vld [tilespmem:s18+$0x190]  }
0x122: {  	v55 =	vor.u32 v4, v18;
	v38 =	vsel vm6, v38, v42;
	v42 =	vor.u32 v5, v27;
	v54 =	vld [tilespmem:s18+$0x20]  }
0x123: {  	[tilespmem:v15+s17+$0x0] =	vst.idx.msk vm7, v38;
	v15 =	vmax.f32 v38, v41;
	v16 =	vmax.f32 v16, v45  }
0x124: {  	v14 =	vmax.f32 v14, v46;
	v15 =	vsel vm7, v41, v15;
	v16 =	vsel vm4, v45, v16  }
0x125: {  	v14 =	vsel vm9, v46, v14;
	[tilespmem:v39+s17+$0x0] =	vst.idx.msk vm5, v16;
	v16 =	vmax.f32 v16, v52  }
0x126: {  	[tilespmem:v49+s17+$0x0] =	vst.idx.msk vm3, v14;
	v14 =	vmax.f32 v14, v44;
	v38 =	vld [tilespmem:s18+$0xA0];
	v16 =	vsel vm5, v52, v16  }
0x127: {  	v39 =	vld [tilespmem:s18+$0xFFFFFF30];
	v41 =	vmax.f32 v15, v54;
	[tilespmem:v40+s17+$0x0] =	vst.idx.msk vm8, v16;
	v40 =	vor.u32 v5, v20  }
0x128: {  	v14 =	vsel vm3, v44, v14;
	[tilespmem:v42+s17+$0x0] =	vst.idx.msk vm2, v15;
	v15 =	vsel vm2, v54, v41;
	v41 =	vld [tilespmem:s18+$0x120]  }
0x129: {  	v42 =	vor.u32 v6, v34;
	v34 =	vor.u32 v7, v34;
	[tilespmem:v50+s17+$0x0] =	vst.idx.msk vm6, v14;
	v44 =	vld [tilespmem:s18+$0xFFFFFFB0]  }
0x12a: {  	v46 =	vor.u32 v6, v27;
	v49 =	vor.u32 v6, v17;
	v45 =	vld [tilespmem:s18+$0xFFFFFE40];
	[tilespmem:v51+s17+$0x0] =	vst.idx.msk vm4, v15  }
0x12b: {  	v16 =	vmax.f32 v16, v53;
	v51 =	vor.u32 v5, v18;
	v50 =	vld [tilespmem:s18+$0x30];
	v15 =	vmax.f32 v15, v38  }
0x12c: {  	v16 =	vsel vm8, v53, v16;
	v52 =	vld [tilespmem:s18+$0xFFFFFEC0];
	v14 =	vmax.f32 v14, v39;
	v15 =	vsel vm4, v38, v15  }
0x12d: {  	v14 =	vsel vm6, v39, v14;
	v38 =	vmax.f32 v15, v41;
	[tilespmem:v55+s17+$0x0] =	vst.idx.msk vm1, v16  }
0x12e: {  	[tilespmem:v42+s17+$0x0] =	vst.idx.msk vm7, v14;
	v14 =	vmax.f32 v14, v44;
	v38 =	vsel vm5, v41, v38;
	v39 =	vld [tilespmem:s18+$0x1A0]  }
0x12f: {  	v13 =	vmax.f32 v13, v45;
	v41 =	vld [tilespmem:s18+$0xFFFFFF40];
	v14 =	vsel vm7, v44, v14;
	[tilespmem:v40+s17+$0x0] =	vst.idx.msk vm8, v38  }
0x130: {  	v13 =	vsel vm9, v45, v13;
	v40 =	vmax.f32 v14, v50;
	[tilespmem:v43+s17+$0x0] =	vst.idx.msk vm5, v15;
	v42 =	vld [tilespmem:s18+$0x130]  }
0x131: {  	v15 =	vmax.f32 v13, v52;
	[tilespmem:v46+s17+$0x0] =	vst.idx.msk vm2, v14;
	v14 =	vsel vm2, v50, v40;
	v40 =	vld [tilespmem:s18+$0xB0]  }
0x132: {  	v44 =	vor.u32 v7, v27;
	v15 =	vsel vm3, v52, v15;
	v43 =	vld [tilespmem:s18+$0xFFFFFFC0];
	[tilespmem:v49+s17+$0x0] =	vst.idx.msk vm4, v14  }
0x133: {  	v45 =	vor.u32 v6, v19;
	[tilespmem:v47+s17+$0x0] =	vst.idx.msk vm3, v13;
	v13 =	vld [tilespmem:s18+$0x40];
	v38 =	vmax.f32 v38, v39  }
0x134: {  	v46 =	vld [tilespmem:s18+$0xFFFFFE50];
	[tilespmem:v48+s17+$0x0] =	vst.idx.msk vm6, v15;
	v47 =	vmax.f32 v15, v41;
	v15 =	vsel vm8, v39, v38  }
0x135: {  	v38 =	vld [tilespmem:s18+$0xFFFFFED0];
	v39 =	vsel vm6, v41, v47;
	v41 =	vor.u32 v6, v20;
	[tilespmem:v51+s17+$0x0] =	vst.idx.msk vm1, v15  }
0x136: {  	[tilespmem:v34+s17+$0x0] =	vst.idx.msk vm7, v39;
	v14 =	vmax.f32 v14, v40;
	v34 =	vor.u32 v7, v19;
	v47 =	vld [tilespmem:s18+$0x1B0]  }
0x137: {  	v48 =	vld [tilespmem:s18+$0xFFFFFF50];
	v39 =	vmax.f32 v39, v43;
	v14 =	vsel vm4, v40, v14;
	v40 =	vor.u32 v6, v18  }
0x138: {  	v39 =	vsel vm7, v43, v39;
	[tilespmem:v45+s17+$0x0] =	vst.idx.msk vm5, v14;
	v14 =	vmax.f32 v14, v42  }
0x139: {  	[tilespmem:v44+s17+$0x0] =	vst.idx.msk vm2, v39;
	v39 =	vmax.f32 v39, v13;
	v43 =	vld [tilespmem:s18+$0xC0];
	v14 =	vsel vm5, v42, v14  }
0x13a: {  	v22 =	vmax.f32 v22, v46;
	v42 =	vld [tilespmem:s18+$0xFFFFFFD0];
	v13 =	vsel vm2, v13, v39;
	[tilespmem:v41+s17+$0x0] =	vst.idx.msk vm8, v14  }
0x13b: {  	v22 =	vsel vm9, v46, v22;
	[tilespmem:v37+s17+$0x0] =	vst.idx.msk vm4, v13;
	v37 =	vld [tilespmem:s18+$0x140];
	v14 =	vmax.f32 v14, v47  }
0x13c: {  	[tilespmem:v36+s17+$0x0] =	vst.idx.msk vm3, v22;
	v22 =	vmax.f32 v22, v38;
	v36 =	vld [tilespmem:s18+$0x50];
	v14 =	vsel vm8, v47, v14  }
0x13d: {  	v39 =	vld [tilespmem:s18+$0xFFFFFE60];
	v22 =	vsel vm3, v38, v22;
	v38 =	vor.u32 v7, v20;
	[tilespmem:v40+s17+$0x0] =	vst.idx.msk vm1, v14  }
0x13e: {  	[tilespmem:v35+s17+$0x0] =	vst.idx.msk vm6, v22;
	v22 =	vmax.f32 v22, v48;
	v13 =	vmax.f32 v13, v43;
	v35 =	vld [tilespmem:s18+$0x1C0]  }
0x13f: {  	v41 =	vor.u32 v7, v18;
	v40 =	vld [tilespmem:s18+$0xFFFFFEE0];
	v22 =	vsel vm6, v48, v22;
	v13 =	vsel vm4, v43, v13  }
0x140: {  	v43 =	vmax.f32 v22, v42;
	[tilespmem:v34+s17+$0x0] =	vst.idx.msk vm5, v13;
	v13 =	vmax.f32 v13, v37  }
0x141: {  	[tilespmem:v32+s17+$0x0] =	vst.idx.msk vm7, v22;
	v22 =	vsel vm7, v42, v43;
	v32 =	vld [tilespmem:s18+$0xD0];
	v34 =	vsel vm5, v37, v13  }
0x142: {  	v13 =	vmax.f32 v24, v39;
	v37 =	vld [tilespmem:s18+$0xFFFFFF60];
	[tilespmem:v33+s17+$0x0] =	vst.idx.msk vm2, v22;
	v22 =	vmax.f32 v22, v36  }
0x143: {  	v13 =	vsel vm9, v39, v13;
	v39 =	vld [tilespmem:s18+$0xFFFFFFE0];
	v36 =	vsel vm2, v36, v22;
	v22 =	vmax.f32 v34, v35  }
0x144: {  	[tilespmem:v31+s17+$0x0] =	vst.idx.msk vm3, v13;
	v24 =	vmax.f32 v13, v40;
	v13 =	vsel vm8, v35, v22  }
0x145: {  	v35 =	vld [tilespmem:s18+$0xFFFFFE70];
	v22 =	vsel vm3, v40, v24;
	v40 =	vor.u32 v9, v27;
	[tilespmem:v41+s17+$0x0] =	vst.idx.msk vm1, v13  }
0x146: {  	v41 =	vor.u32 v8, v17;
	v31 =	vmax.f32 v36, v32;
	[tilespmem:v38+s17+$0x0] =	vst.idx.msk vm8, v34;
	v24 =	vld [tilespmem:s18+$0x1D0]  }
0x147: {  	[tilespmem:v28+s17+$0x0] =	vst.idx.msk vm6, v22;
	v22 =	vmax.f32 v22, v37;
	v38 =	vsel vm4, v32, v31;
	v33 =	vld [tilespmem:s18+$0x150]  }
.Ltmp11:
0x148: {  	v31 =	vor.u32 v10, v25;
	v32 =	vld [tilespmem:s18+$0xFFFFFEF0];
	v22 =	vsel vm6, v37, v22;
	[tilespmem:v30+s17+$0x0] =	vst.idx.msk vm5, v38;
	(pc) =	sbr.rel @p0 .LBB2_9-.Ltmp11, $4  }
0x149: {  	v25 =	vor.u32 v10, v26;
	[tilespmem:v29+s17+$0x0] =	vst.idx.msk vm7, v22;
	v26 =	vmax.f32 v22, v39;
	v28 =	vld [tilespmem:s18+$0xE0]  }
0x14a: {  	v34 =	vor.u32 v8, v20;
	v23 =	vmax.f32 v23, v35;
	v22 =	vld [tilespmem:s18+$0xFFFFFF70];
	v29 =	vsel vm7, v39, v26  }
0x14b: {  	v26 =	vor.u32 v10, v27;
	v30 =	vsel vm9, v35, v23;
	[tilespmem:v40+s17+$0x0] =	vst.idx.msk vm2, v29  }
0x14c: {  	v27 =	vor.u32 v8, v18;
	v23 =	vld [tilespmem:s18+$0xFFFFFFF0];
	[tilespmem:v41+s17+$0x0] =	vst.idx.msk vm4, v36;
	v35 =	vmax.f32 v38, v33  }
.LBB2_10:
0x14d: {  	_ =	sdelay $0x1  }
0x14e: {  	v36 =	vld [tilespmem:s1+$0x60];
	_ =	sdelay $0x1  }
0x14f: {  	v33 =	vsel vm5, v33, v35;
	v50 =	vor.u32 v9, v17  }
0x150: {  	[tilespmem:v34+s17+$0x0] =	vst.idx.msk vm8, v33;
	v33 =	vmax.f32 v33, v24  }
0x151: {  	v51 =	vor.u32 v9, v19;
	v24 =	vsel vm8, v24, v33;
	v52 =	vld [tilespmem:s1+$0x160]  }
0x152: {  	[tilespmem:v27+s17+$0x0] =	vst.idx.msk vm1, v24;
	v27 =	vmax.f32 v29, v36  }
0x153: {  	v53 =	vor.u32 v9, v20;
	v54 =	vld [tilespmem:s1+$0x1E0];
	v27 =	vsel vm2, v36, v27  }
0x154: {  	v55 =	vmax.f32 v30, v32;
	[tilespmem:v50+s17+$0x0] =	vst.idx.msk vm4, v27;
	v27 =	vmax.f32 v27, v28  }
0x155: {  	v56 =	vor.u32 v9, v18;
	v32 =	vsel vm3, v32, v55;
	v27 =	vsel vm4, v28, v27;
	v57 =	vld [tilespmem:s1+$0x70]  }
0x156: {  	v58 =	vmax.f32 v32, v22;
	[tilespmem:v51+s17+$0x0] =	vst.idx.msk vm5, v27;
	v27 =	vmax.f32 v27, v52  }
0x157: {  	v22 =	vsel vm6, v22, v58;
	v59 =	vld [tilespmem:s1+$0xF0];
	v27 =	vsel vm5, v52, v27  }
0x158: {  	v60 =	vmax.f32 v22, v23;
	[tilespmem:v53+s17+$0x0] =	vst.idx.msk vm8, v27;
	v27 =	vmax.f32 v27, v54  }
0x159: {  	v61 =	vsel vm7, v23, v60;
	v62 =	vld [tilespmem:s1+$0x170];
	v23 =	vsel vm8, v54, v27  }
0x15a: {  	v17 =	vor.u32 v10, v17;
	v27 =	vmax.f32 v61, v57;
	[tilespmem:v56+s17+$0x0] =	vst.idx.msk vm1, v23  }
0x15b: {  	[tilespmem:v31+s17+$0x0] =	vst.idx.msk vm3, v30;
	v19 =	vor.u32 v10, v19;
	v27 =	vsel vm2, v57, v27;
	v63 =	vld [tilespmem:s1+$0x1F0]  }
0x15c: {  	v20 =	vor.u32 v10, v20;
	[tilespmem:v25+s17+$0x0] =	vst.idx.msk vm6, v32;
	v25 =	vmax.f32 v27, v59  }
0x15d: {  	v18 =	vor.u32 v10, v18;
	[tilespmem:v21+s17+$0x0] =	vst.idx.msk vm7, v22;
	v21 =	vsel vm4, v59, v25  }
0x15e: {  	[tilespmem:v26+s17+$0x0] =	vst.idx.msk vm2, v61;
	v22 =	vmax.f32 v21, v62  }
0x15f: {  	[tilespmem:v17+s17+$0x0] =	vst.idx.msk vm4, v27;
	v17 =	vsel vm5, v62, v22  }
0x160: {  	[tilespmem:v19+s17+$0x0] =	vst.idx.msk vm5, v21;
	v19 =	vmax.f32 v17, v63  }
0x161: {  	[tilespmem:v20+s17+$0x0] =	vst.idx.msk vm8, v17;
	v22 =	vsel vm8, v63, v19  }
0x162: {  	[tilespmem:v18+s17+$0x0] =	vst.idx.msk vm1, v22  }
.LBB2_11:
0x163: {  	p0 =	sge.s32 s16, s9  }
.Ltmp12:
0x164: {  	_ = 	snop;
	(pc) =	sbr.rel @p0 .LBB2_14-.Ltmp12, $1  }
0x165: {  	_ =	sdelay $0x3  }
0x166: {  	p0 =	sgt.s32 s22, $0x0;
	s1 =	smov.u32 s22  }
0x167: {  	s1 =	simm.s32 @!p0 $0x0  }
0x168: {  	s1 =	smin.u32 s1, $0x80  }
0x169: {  	s9 =	sshll.u32 s1, $0x9  }
0x16a: {  	s24 =	sshll.u32 s13, $0x9;
	s9 =	sadd.s32 s9, s10  }
0x16b: {  	s9 =	ssub.s32 s9, s24  }
0x16c: {  	s10 =	sshra.s32 s9, $0x2  }
0x16d: {  	s1 =	sadd.s32 s4, s1;
	s9 =	ssub.s32 $0x0, s13;
	s10 =	sadd.s32 $0x11C0, s10  }
.LBB2_13:
0x16e: {  	s3 =	sadd.s32 s9, s1  }
0x16f: {  	v17 =	vmov s3;
	_ =	sdelay $0x4  }
0x170: {  	v18 =	vmov v11;
	v11 =	vld.idx.msk [tilespmem:v17+s15+$0x0], $0xffff;
	_ =	sdelay $0x3  }
0x171: {  	v19 =	vld [tilespmem:s10+$0xFFFFFFC0];
	v17 =	vsub.s32 v18, v1  }
0x172: {  	vm2 =	vmmov vm1;
	v17 =	vshll.u32 v17, $0x7;
	vm1 =	vne.s32 v11, v18  }
0x173: {  	v18 =	vor.u32 v2, v17;
	_ =	sdelay $0x2  }
0x174: {  	v12 =	vmax.f32 v12, v19  }
0x175: {  	v12 =	vsel vm2, v19, v12  }
0x176: {  	[tilespmem:v18+s17+$0x0] =	vst.idx.msk vm1, v12  }
0x177: {  	v18 =	vld [tilespmem:s10+$0xFFFFFFD0];
	_ =	sdelay $0x1  }
0x178: {  	v19 =	vor.u32 v4, v17;
	_ =	sdelay $0x2  }
0x179: {  	v16 =	vmax.f32 v16, v18  }
0x17a: {  	v16 =	vsel vm2, v18, v16  }
0x17b: {  	[tilespmem:v19+s17+$0x0] =	vst.idx.msk vm1, v16  }
0x17c: {  	v18 =	vld [tilespmem:s10+$0xFFFFFFE0];
	_ =	sdelay $0x1  }
0x17d: {  	v19 =	vor.u32 v5, v17;
	_ =	sdelay $0x2  }
0x17e: {  	v15 =	vmax.f32 v15, v18  }
0x17f: {  	v15 =	vsel vm2, v18, v15  }
0x180: {  	[tilespmem:v19+s17+$0x0] =	vst.idx.msk vm1, v15  }
0x181: {  	v18 =	vld [tilespmem:s10+$0xFFFFFFF0];
	_ =	sdelay $0x1  }
0x182: {  	v19 =	vor.u32 v6, v17;
	_ =	sdelay $0x2  }
0x183: {  	v14 =	vmax.f32 v14, v18  }
0x184: {  	v14 =	vsel vm2, v18, v14  }
0x185: {  	[tilespmem:v19+s17+$0x0] =	vst.idx.msk vm1, v14  }
0x186: {  	v18 =	vld [tilespmem:s10+$0x0];
	_ =	sdelay $0x1  }
0x187: {  	v19 =	vor.u32 v7, v17;
	_ =	sdelay $0x2  }
0x188: {  	v13 =	vmax.f32 v13, v18  }
0x189: {  	v13 =	vsel vm2, v18, v13  }
0x18a: {  	[tilespmem:v19+s17+$0x0] =	vst.idx.msk vm1, v13  }
0x18b: {  	v18 =	vld [tilespmem:s10+$0x10];
	_ =	sdelay $0x1  }
0x18c: {  	v19 =	vor.u32 v8, v17;
	_ =	sdelay $0x2  }
0x18d: {  	v20 =	vmax.f32 v24, v18  }
0x18e: {  	v24 =	vsel vm2, v18, v20  }
0x18f: {  	[tilespmem:v19+s17+$0x0] =	vst.idx.msk vm1, v24  }
0x190: {  	v18 =	vld [tilespmem:s10+$0x20];
	_ =	sdelay $0x1  }
0x191: {  	v19 =	vor.u32 v9, v17;
	_ =	sdelay $0x2  }
0x192: {  	v20 =	vmax.f32 v23, v18  }
0x193: {  	v23 =	vsel vm2, v18, v20  }
0x194: {  	[tilespmem:v19+s17+$0x0] =	vst.idx.msk vm1, v23  }
0x195: {  	v18 =	vld [tilespmem:s10+$0x30]  }
0x196: {  	s9 =	sadd.s32 $0x1, s9  }
0x197: {  	p0 =	seq.s32 s9, $0x0;
	v17 =	vor.u32 v10, v17  }
.Ltmp13:
0x198: {  	_ = 	snop;
	(pc) =	sbr.rel @!p0 .LBB2_13-.Ltmp13, $4  }
0x199: {  	_ = 	snop  }
0x19a: {  	v19 =	vmax.f32 v22, v18  }
0x19b: {  	v22 =	vsel vm2, v18, v19  }
0x19c: {  	s10 =	sadd.s32 $0x80, s10;
	[tilespmem:v17+s17+$0x0] =	vst.idx.msk vm1, v22  }
.Ltmp14:
0x19d: {  	_ = 	snop;
	(pc) =	sbr.rel .LBB2_14-.Ltmp14, $1  }
0x19e: {  	_ =	sdelay $0x3  }
.LBB2_17:
0x19f: {  	_ =	sfence.sel $0x180000  }
0x1a0: {  	[bflag:$0x0] =	sbarrier.arrive $0xFFFF  }
0x1a1: {  	_ =	strace $0x90000047  }
0x1a2: {  	s0 =	stileid.u32;
	[bflag:$0x2] =	sbarrier.arrive $0xFFFF  }
0x1a3: {  	p0 =	sne.s32 s0, $0x0;
	s0 =	rddreg [dreg:$0x7]  }
0x1a4: {  	s0 =	sadd.s32 @!p0 $0x100000, s0  }
0x1a5: {  	[sflag:s0] =	ssyncadd.tile.s32 @!p0 $0x1;
	_ =	shalt  }
.Lfunc_end2:
_tile_overlayer_lowered:
.L_overlay_start_2:
0x1a6: {  	(tag) =	ssettag $0x2  }
0x1a7: {  	s0 =	rddreg [dreg:$0x0];
	s2 =	stileid.u32  }
0x1a8: {  	s1 =	rddreg [dreg:$0x1];
	p0 =	sne.s32 s2, $0x0  }
0x1a9: {  	s3 =	rddreg [dreg:$0x2];
	[bflag:$0x3] =	sbarrier.arrive $0xFFFF;
	s2 =	simm.s32 @!p0 $0x1C05  }
0x1aa: {  	[timem:s3], [sflag:s2] =	dma.local @!p0 [hbm:s0], s1  }
0x1ab: {  	s0 =	simm.s32 @!p0 $0x5  }
0x1ac: {  	_ =	swait.ge @!p0 [sflag:s0], s1  }
0x1ad: {  	s1 =	ssub.s32 @!p0 $0x0, s1;
	[sflag:s0] =	ssyncset.done @!p0 $0x0  }
0x1ae: {  	[sflag:s0] =	ssyncadd.s32 @!p0 s1  }
0x1af: {  	[bflag:$0x3] =	sbarrier.arrive $0xFFFF  }
0x1b0: {  	_ =	shalt  }

</sc_bundles>
